<compile_context>
chip_gen: v7x
topology: tpu7x:2x2x1
jax: 0.10.2.dev20260603
libtpu: 0.0.44.dev20260713+nightly
codegen_flags: <defaults>
</compile_context>

<pallas_src>
import functools

import jax
import jax.numpy as jnp
from jax import lax
from jax.experimental import pallas as pl
from jax.experimental.pallas import tpu as pltpu
from jax.experimental.pallas import tpu_sc as plsc



def _sc_gather_bf16(table, idx, chunk=32):
    n_tokens = idx.shape[0]
    d = table.shape[1]
    info = plsc.get_sparse_core_info()
    num_workers = info.num_cores * info.num_subcores
    per_worker = n_tokens // num_workers
    n_chunks = per_worker // chunk
    mesh = plsc.VectorSubcoreMesh(core_axis_name="c", subcore_axis_name="s")

    @functools.partial(
        pl.kernel,
        mesh=mesh,
        out_type=jax.ShapeDtypeStruct((n_tokens * d // 2,), jnp.int32),
        scratch_types=[
            pltpu.VMEM((per_worker,), jnp.int32),
            pltpu.VMEM((chunk, d), jnp.float32),
            pltpu.VMEM((chunk, d), jnp.float32),
            pltpu.VMEM((chunk * d // 2,), jnp.int32),
            pltpu.VMEM((chunk * d // 2,), jnp.int32),
            pltpu.SemaphoreType.DMA,
            pltpu.SemaphoreType.DMA,
            pltpu.SemaphoreType.DMA,
            pltpu.SemaphoreType.DMA,
        ],
    )
    def gather_kernel(table_hbm, idx_hbm, out_hbm, idx_v, ra, rb, ba, bb,
                      gsa, gsb, osa, osb):
        wid = lax.axis_index("s") * info.num_cores + lax.axis_index("c")
        base = wid * per_worker
        pltpu.sync_copy(idx_hbm.at[pl.ds(base, per_worker)], idx_v)
        rows = (ra, rb)
        bfs = (ba, bb)
        gsems = (gsa, gsb)
        osems = (osa, osb)

        rnd = jnp.int32(0x8000)
        himask = jnp.int32(-65536)
        half = d // 2
        gpr = half // 16

        def convert(rv, bv):
            @plsc.parallel_loop(0, chunk * gpr, step=1, unroll=8)
            def _(g):
                r = g >> 5
                cb = (g & (gpr - 1)) * 16
                a = rv[r, pl.ds(cb, 16)]
                b = rv[r, pl.ds(cb + half, 16)]
                ai = lax.bitcast_convert_type(a, jnp.int32) + rnd
                bi = lax.bitcast_convert_type(b, jnp.int32) + rnd
                bv[pl.ds(g * 16, 16)] = (
                    lax.shift_right_logical(ai, 16) | (bi & himask))

        def start_gather(i):
            return pltpu.async_copy(
                table_hbm.at[idx_v.at[pl.ds(i * chunk, chunk)]],
                rows[i % 2], gsems[i % 2])

        out_handles = [None, None]
        h = start_gather(0)
        for i in range(n_chunks):
            h.wait()
            if i + 1 < n_chunks:
                h = start_gather(i + 1)
            if out_handles[i % 2] is not None:
                out_handles[i % 2].wait()
            convert(rows[i % 2], bfs[i % 2])
            out_handles[i % 2] = pltpu.async_copy(
                bfs[i % 2],
                out_hbm.at[pl.ds(
                    pl.multiple_of((base + i * chunk) * (d // 2), 8),
                    chunk * d // 2)],
                osems[i % 2])
        for oh in out_handles:
            if oh is not None:
                oh.wait()

    return gather_kernel(table, idx)



def _tc_project(g, sv, sw, pw, block_t=512):
    n_tokens = g.shape[0]
    d_proj = pw.shape[0]
    d_embed = pw.shape[1]
    vec_len = sv.shape[1]
    scale = float(d_proj) ** 0.5
    half = d_embed // 2

    def body(g_ref, sv_ref, sw_ref, pw_ref, o_ref, pwb_ref):
        @pl.when(pl.program_id(0) == 0)
        def _():
            pwb_ref[...] = pw_ref[...].astype(jnp.bfloat16)

        h = lax.dot_general(
            sv_ref[...], sw_ref[...],
            (((1,), (0,)), ((), ())),
            preferred_element_type=jnp.float32,
        )
        gi = g_ref[...]
        ga = lax.bitcast_convert_type(gi << 16, jnp.float32)
        gb = lax.bitcast_convert_type(gi & jnp.int32(-65536), jnp.float32)
        e1 = (ga + h[:, :half]).astype(jnp.bfloat16)
        e2 = (gb + h[:, half:]).astype(jnp.bfloat16)
        pw_v = pwb_ref[...]
        acc = lax.dot_general(
            e1, pw_v[:, :half],
            (((1,), (1,)), ((), ())),
            preferred_element_type=jnp.float32,
        ) + lax.dot_general(
            e2, pw_v[:, half:],
            (((1,), (1,)), ((), ())),
            preferred_element_type=jnp.float32,
        )
        o_ref[...] = acc * scale

    return pl.pallas_call(
        body,
        grid=(n_tokens // block_t,),
        in_specs=[
            pl.BlockSpec((block_t, d_embed // 2), lambda i: (i, 0)),
            pl.BlockSpec((block_t, vec_len), lambda i: (i, 0)),
            pl.BlockSpec(memory_space=pltpu.MemorySpace.VMEM),
            pl.BlockSpec(memory_space=pltpu.MemorySpace.VMEM),
        ],
        out_specs=pl.BlockSpec((block_t, d_proj), lambda i: (i, 0)),
        out_shape=jax.ShapeDtypeStruct((n_tokens, d_proj), jnp.float32),
        scratch_shapes=[pltpu.VMEM((d_proj, d_embed), jnp.bfloat16)],
    )(g, sv, sw, pw)


def kernel(inp, status_vec, emb_weight, status_weight, proj_W):
    b, l = inp.shape
    n_tokens = b * l
    d_embed = emb_weight.shape[1]
    idx = inp.reshape(n_tokens).astype(jnp.int32)
    sv = status_vec.reshape(n_tokens, status_vec.shape[-1])

    g_i32 = _sc_gather_bf16(emb_weight, idx).reshape(
        n_tokens, d_embed // 2)
    out = _tc_project(g_i32, sv, status_weight, proj_W)
    return out.reshape(b, l, proj_W.shape[0])

# --- scband reference (transcript-rebuilt; emitter-appended) ---
"""Pipeline reference for scband-adaptive-embedding-17386027614278 (READ-ONLY COPY).

The authoritative reference and input builder live on the scoring server;
editing this copy changes nothing except your own understanding.
"""

import jax, jax.numpy as jnp
import numpy as np

N_TOKEN = 100000
D_EMBED = 1024
D_PROJ = 2048
VEC_LEN = 128
B = 4
L = 2048


def setup_inputs(seed: int = 0) -> dict:
    key = jax.random.key(seed)
    k1, k2, k3, k4, k5 = jax.random.split(key, 5)
    inp = jax.random.randint(k1, (B, L), 0, N_TOKEN)
    status_vec = jax.random.uniform(k2, (B, L, VEC_LEN), dtype=jnp.float32)
    emb_weight = jax.random.normal(k3, (N_TOKEN, D_EMBED), dtype=jnp.float32) * 0.02
    status_weight = jax.random.normal(k4, (VEC_LEN, D_EMBED), dtype=jnp.float32) * 0.02
    proj_W = jax.random.normal(k5, (D_PROJ, D_EMBED), dtype=jnp.float32) * 0.02
    return {
        "inp": inp,
        "status_vec": status_vec,
        "emb_weight": emb_weight,
        "status_weight": status_weight,
        "proj_W": proj_W,
    }


def reference(inp, status_vec, emb_weight, status_weight, proj_W):
    # inp is 2D -> embedding lookup path
    embed = jnp.take(emb_weight, inp, axis=0)
    # append_note_status=True: add status_vec @ status_emb weight
    embed = embed + jnp.matmul(status_vec.astype(jnp.float32), status_weight)
    # d_proj != d_embed: F.linear(embed, proj_W) == embed @ proj_W.T
    embed = jnp.matmul(embed, proj_W.T)
    # scale by emb_scale = d_proj ** 0.5
    return embed * (D_PROJ ** 0.5)

if __name__ == "__main__":
    import jax
    _d = setup_inputs()
    print(jax.jit(kernel)(*tuple(_d.values())))

</pallas_src>

<mosaic_0001>
#map = affine_map<(d0, d1) -> (0, 0)>
#map1 = affine_map<(d0, d1) -> (0)>
module attributes {stable_mosaic.version = 14 : i64} {
  func.func @gather_kernel(%arg0: i32, %arg1: i32, %arg2: memref<100000x1024xf32, #tpu.memory_space<hbm>>, %arg3: memref<8192xi32, #tpu.memory_space<hbm>>, %arg4: memref<4194304xi32, #tpu.memory_space<hbm>>, %arg5: memref<256xi32, #tpu.memory_space<vmem>>, %arg6: memref<32x1024xf32, #tpu.memory_space<vmem>>, %arg7: memref<32x1024xf32, #tpu.memory_space<vmem>>, %arg8: memref<16384xi32, #tpu.memory_space<vmem>>, %arg9: memref<16384xi32, #tpu.memory_space<vmem>>, %arg10: memref<!tpu.dma_semaphore, #tpu.memory_space<semaphore_mem>>, %arg11: memref<!tpu.dma_semaphore, #tpu.memory_space<semaphore_mem>>, %arg12: memref<!tpu.dma_semaphore, #tpu.memory_space<semaphore_mem>>, %arg13: memref<!tpu.dma_semaphore, #tpu.memory_space<semaphore_mem>>) attributes {dimension_semantics = [#tpu.dimension_semantics<core_parallel>, #tpu.dimension_semantics<subcore_parallel>], iteration_bounds = array<i64: 2, 16>, scalar_prefetch = 0 : i64, scratch_operands = 9 : i64, tpu.core_type = #tpu.core_type<sc_vector_subcore>, window_params = [{transform_indices = #map}, {transform_indices = #map1}, {transform_indices = #map1}]} {
    %mul3A = arith.constant 2 : i32
    %mul3A_0 = arith.muli %arg1, %mul3A : i32
    %add3A = arith.addi %mul3A_0, %arg0 : i32
    %mul3A_1 = arith.constant 256 : i32
    %mul3A_2 = arith.muli %add3A, %mul3A_1 : i32
    "tpu.region"() ({
      %run_scoped3A = tpu.sem_alloc : memref<!tpu.dma_semaphore, #tpu.memory_space<semaphore_mem>>
      %dma_start3A_191 = tpu.memref_slice %arg3[%mul3A_2] : memref<8192xi32, #tpu.memory_space<hbm>> -> memref<256xi32, #tpu.memory_space<hbm>>
      %dma_start3A_192 = tpu.memref_slice %arg3[%mul3A_2] : memref<8192xi32, #tpu.memory_space<hbm>> -> memref<256xi32, #tpu.memory_space<hbm>>
      tpu.enqueue_dma source(%dma_start3A_192 : memref<256xi32, #tpu.memory_space<hbm>>) target(%arg5 : memref<256xi32, #tpu.memory_space<vmem>>) target_semaphore(%run_scoped3A : memref<!tpu.dma_semaphore, #tpu.memory_space<semaphore_mem>>)
      %dma_wait3A_193 = tpu.memref_slice %arg3[%mul3A_2] : memref<8192xi32, #tpu.memory_space<hbm>> -> memref<256xi32, #tpu.memory_space<hbm>>
      %dma_wait3A_194 = tpu.memref_slice %arg3[%mul3A_2] : memref<8192xi32, #tpu.memory_space<hbm>> -> memref<256xi32, #tpu.memory_space<hbm>>
      tpu.wait_dma2 semaphore(%run_scoped3A : memref<!tpu.dma_semaphore, #tpu.memory_space<semaphore_mem>>) src(%dma_wait3A_194 : memref<256xi32, #tpu.memory_space<hbm>>) dst(%arg5 : memref<256xi32, #tpu.memory_space<vmem>>)
      tpu.yield
    }) : () -> ()
    %dma_start3A = arith.constant 0 : i32
    %dma_start3A_3 = tpu.memref_slice %arg5[%dma_start3A] : memref<256xi32, #tpu.memory_space<vmem>> -> memref<32xi32, #tpu.memory_space<vmem>>
    %dma_start3A_4 = arith.constant 0 : i32
    %dma_start3A_5 = arith.constant 0 : i32
    %dma_start3A_6 = tpu.memref_slice %arg2[%dma_start3A_4, %dma_start3A_5] : memref<100000x1024xf32, #tpu.memory_space<hbm>> -> memref<100000x1024xf32, #tpu.memory_space<hbm>>
    tpu.enqueue_indirect_dma source(%dma_start3A_6 : memref<100000x1024xf32, #tpu.memory_space<hbm>>) target(%arg6 : memref<32x1024xf32, #tpu.memory_space<vmem>>) offsets(%dma_start3A_3 : memref<32xi32, #tpu.memory_space<vmem>>) semaphore(%arg10 : memref<!tpu.dma_semaphore, #tpu.memory_space<semaphore_mem>>)
    %dma_wait3A = arith.constant 0 : i32
    %dma_wait3A_7 = tpu.memref_slice %arg5[%dma_wait3A] : memref<256xi32, #tpu.memory_space<vmem>> -> memref<32xi32, #tpu.memory_space<vmem>>
    %dma_wait3A_8 = arith.constant 0 : i32
    %dma_wait3A_9 = arith.constant 0 : i32
    %dma_wait3A_10 = tpu.memref_slice %arg2[%dma_wait3A_8, %dma_wait3A_9] : memref<100000x1024xf32, #tpu.memory_space<hbm>> -> memref<100000x1024xf32, #tpu.memory_space<hbm>>
    tpu.wait_indirect_dma semaphore(%arg10 : memref<!tpu.dma_semaphore, #tpu.memory_space<semaphore_mem>>) src(%dma_wait3A_10 : memref<100000x1024xf32, #tpu.memory_space<hbm>>) dst(%arg6 : memref<32x1024xf32, #tpu.memory_space<vmem>>)
    %dma_start3A_11 = arith.constant 32 : i32
    %dma_start3A_12 = tpu.memref_slice %arg5[%dma_start3A_11] : memref<256xi32, #tpu.memory_space<vmem>> -> memref<32xi32, #tpu.memory_space<vmem>>
    %dma_start3A_13 = arith.constant 0 : i32
    %dma_start3A_14 = arith.constant 0 : i32
    %dma_start3A_15 = tpu.memref_slice %arg2[%dma_start3A_13, %dma_start3A_14] : memref<100000x1024xf32, #tpu.memory_space<hbm>> -> memref<100000x1024xf32, #tpu.memory_space<hbm>>
    tpu.enqueue_indirect_dma source(%dma_start3A_15 : memref<100000x1024xf32, #tpu.memory_space<hbm>>) target(%arg7 : memref<32x1024xf32, #tpu.memory_space<vmem>>) offsets(%dma_start3A_12 : memref<32xi32, #tpu.memory_space<vmem>>) semaphore(%arg11 : memref<!tpu.dma_semaphore, #tpu.memory_space<semaphore_mem>>)
    %parallel_loop3A = arith.constant 0 : i32
    %parallel_loop3A_16 = arith.constant 1024 : i32
    %parallel_loop3A_17 = arith.constant 1 : i32
    %parallel_loop3A_18 = arith.constant 32768 : i32
    %parallel_loop3A_19 = arith.constant -65536 : i32
    scf.for %parallel_loop3A_191 = %parallel_loop3A to %parallel_loop3A_16 step %parallel_loop3A_17  : i32 {
      %parallel_loop3A_192 = arith.constant 5 : i32
      %parallel_loop3A_193 = arith.shrsi %parallel_loop3A_191, %parallel_loop3A_192 : i32
      %parallel_loop3A_194 = arith.constant 31 : i32
      %parallel_loop3A_195 = arith.andi %parallel_loop3A_191, %parallel_loop3A_194 : i32
      %parallel_loop3A_196 = arith.constant 16 : i32
      %parallel_loop3A_197 = arith.muli %parallel_loop3A_195, %parallel_loop3A_196 : i32
      %parallel_loop3A_198 = arith.index_cast %parallel_loop3A_193 : i32 to index
      %parallel_loop3A_199 = arith.index_cast %parallel_loop3A_197 : i32 to index
      %parallel_loop3A_200 = tpu.vector_load %arg6[%parallel_loop3A_198, %parallel_loop3A_199] {strides = array<i32>} : memref<32x1024xf32, #tpu.memory_space<vmem>>, vector<1x16xf32>,
      %parallel_loop3A_201 = vector.shape_cast %parallel_loop3A_200 : vector<1x16xf32> to vector<16xf32>
      %parallel_loop3A_202 = arith.constant 512 : i32
      %parallel_loop3A_203 = arith.addi %parallel_loop3A_197, %parallel_loop3A_202 : i32
      %parallel_loop3A_204 = arith.index_cast %parallel_loop3A_193 : i32 to index
      %parallel_loop3A_205 = arith.index_cast %parallel_loop3A_203 : i32 to index
      %parallel_loop3A_206 = tpu.vector_load %arg6[%parallel_loop3A_204, %parallel_loop3A_205] {strides = array<i32>} : memref<32x1024xf32, #tpu.memory_space<vmem>>, vector<1x16xf32>,
      %parallel_loop3A_207 = vector.shape_cast %parallel_loop3A_206 : vector<1x16xf32> to vector<16xf32>
      %parallel_loop3A_208 = tpu.bitcast %parallel_loop3A_201 : vector<16xf32> -> vector<16xi32>
      %parallel_loop3A_209 = vector.broadcast %parallel_loop3A_18 : i32 to vector<16xi32>
      %parallel_loop3A_210 = arith.addi %parallel_loop3A_208, %parallel_loop3A_209 : vector<16xi32>
      %parallel_loop3A_211 = tpu.bitcast %parallel_loop3A_207 : vector<16xf32> -> vector<16xi32>
      %parallel_loop3A_212 = vector.broadcast %parallel_loop3A_18 : i32 to vector<16xi32>
      %parallel_loop3A_213 = arith.addi %parallel_loop3A_211, %parallel_loop3A_212 : vector<16xi32>
      %parallel_loop3A_214 = arith.constant 16 : i32
      %parallel_loop3A_215 = vector.broadcast %parallel_loop3A_214 : i32 to vector<16xi32>
      %parallel_loop3A_216 = arith.shrui %parallel_loop3A_210, %parallel_loop3A_215 : vector<16xi32>
      %parallel_loop3A_217 = vector.broadcast %parallel_loop3A_19 : i32 to vector<16xi32>
      %parallel_loop3A_218 = arith.andi %parallel_loop3A_213, %parallel_loop3A_217 : vector<16xi32>
      %parallel_loop3A_219 = arith.ori %parallel_loop3A_216, %parallel_loop3A_218 : vector<16xi32>
      %parallel_loop3A_220 = arith.constant 16 : i32
      %parallel_loop3A_221 = arith.muli %parallel_loop3A_191, %parallel_loop3A_220 : i32
      %parallel_loop3A_222 = arith.index_cast %parallel_loop3A_221 : i32 to index
      %parallel_loop3A_223 = tpu.vector_load %arg8[%parallel_loop3A_222] {strides = array<i32>} : memref<16384xi32, #tpu.memory_space<vmem>>, vector<16xi32>,
      %parallel_loop3A_224 = vector.shape_cast %parallel_loop3A_223 : vector<16xi32> to vector<16xi32>
      %parallel_loop3A_225 = vector.shape_cast %parallel_loop3A_219 : vector<16xi32> to vector<16xi32>
      tpu.vector_store %arg8[%parallel_loop3A_222], %parallel_loop3A_225 {strides = array<i32>} : memref<16384xi32, #tpu.memory_space<vmem>>, vector<16xi32>,
    } {sc.loop_unroll_factor = 8 : i64, sc.parallel_access}
    %add3A_20 = arith.constant 0 : i32
    %add3A_21 = arith.addi %mul3A_2, %add3A_20 : i32
    %mul3A_22 = arith.constant 512 : i32
    %mul3A_23 = arith.muli %add3A_21, %mul3A_22 : i32
    %multiple_of3A = tpu.assume_multiple %mul3A_23, 8 : i32
    %dma_start3A_24 = tpu.memref_slice %arg4[%multiple_of3A] : memref<4194304xi32, #tpu.memory_space<hbm>> -> memref<16384xi32, #tpu.memory_space<hbm>>
    %dma_start3A_25 = tpu.memref_slice %arg4[%multiple_of3A] : memref<4194304xi32, #tpu.memory_space<hbm>> -> memref<16384xi32, #tpu.memory_space<hbm>>
    tpu.enqueue_dma source(%arg8 : memref<16384xi32, #tpu.memory_space<vmem>>) target(%dma_start3A_25 : memref<16384xi32, #tpu.memory_space<hbm>>) target_semaphore(%arg12 : memref<!tpu.dma_semaphore, #tpu.memory_space<semaphore_mem>>)
    %dma_wait3A_26 = arith.constant 32 : i32
    %dma_wait3A_27 = tpu.memref_slice %arg5[%dma_wait3A_26] : memref<256xi32, #tpu.memory_space<vmem>> -> memref<32xi32, #tpu.memory_space<vmem>>
    %dma_wait3A_28 = arith.constant 0 : i32
    %dma_wait3A_29 = arith.constant 0 : i32
    %dma_wait3A_30 = tpu.memref_slice %arg2[%dma_wait3A_28, %dma_wait3A_29] : memref<100000x1024xf32, #tpu.memory_space<hbm>> -> memref<100000x1024xf32, #tpu.memory_space<hbm>>
    tpu.wait_indirect_dma semaphore(%arg11 : memref<!tpu.dma_semaphore, #tpu.memory_space<semaphore_mem>>) src(%dma_wait3A_30 : memref<100000x1024xf32, #tpu.memory_space<hbm>>) dst(%arg7 : memref<32x1024xf32, #tpu.memory_space<vmem>>)
    %dma_start3A_31 = arith.constant 64 : i32
    %dma_start3A_32 = tpu.memref_slice %arg5[%dma_start3A_31] : memref<256xi32, #tpu.memory_space<vmem>> -> memref<32xi32, #tpu.memory_space<vmem>>
    %dma_start3A_33 = arith.constant 0 : i32
    %dma_start3A_34 = arith.constant 0 : i32
    %dma_start3A_35 = tpu.memref_slice %arg2[%dma_start3A_33, %dma_start3A_34] : memref<100000x1024xf32, #tpu.memory_space<hbm>> -> memref<100000x1024xf32, #tpu.memory_space<hbm>>
    tpu.enqueue_indirect_dma source(%dma_start3A_35 : memref<100000x1024xf32, #tpu.memory_space<hbm>>) target(%arg6 : memref<32x1024xf32, #tpu.memory_space<vmem>>) offsets(%dma_start3A_32 : memref<32xi32, #tpu.memory_space<vmem>>) semaphore(%arg10 : memref<!tpu.dma_semaphore, #tpu.memory_space<semaphore_mem>>)
    %parallel_loop3A_36 = arith.constant 0 : i32
    %parallel_loop3A_37 = arith.constant 1024 : i32
    %parallel_loop3A_38 = arith.constant 1 : i32
    %parallel_loop3A_39 = arith.constant 32768 : i32
    %parallel_loop3A_40 = arith.constant -65536 : i32
    scf.for %parallel_loop3A_191 = %parallel_loop3A_36 to %parallel_loop3A_37 step %parallel_loop3A_38  : i32 {
      %parallel_loop3A_192 = arith.constant 5 : i32
      %parallel_loop3A_193 = arith.shrsi %parallel_loop3A_191, %parallel_loop3A_192 : i32
      %parallel_loop3A_194 = arith.constant 31 : i32
      %parallel_loop3A_195 = arith.andi %parallel_loop3A_191, %parallel_loop3A_194 : i32
      %parallel_loop3A_196 = arith.constant 16 : i32
      %parallel_loop3A_197 = arith.muli %parallel_loop3A_195, %parallel_loop3A_196 : i32
      %parallel_loop3A_198 = arith.index_cast %parallel_loop3A_193 : i32 to index
      %parallel_loop3A_199 = arith.index_cast %parallel_loop3A_197 : i32 to index
      %parallel_loop3A_200 = tpu.vector_load %arg7[%parallel_loop3A_198, %parallel_loop3A_199] {strides = array<i32>} : memref<32x1024xf32, #tpu.memory_space<vmem>>, vector<1x16xf32>,
      %parallel_loop3A_201 = vector.shape_cast %parallel_loop3A_200 : vector<1x16xf32> to vector<16xf32>
      %parallel_loop3A_202 = arith.constant 512 : i32
      %parallel_loop3A_203 = arith.addi %parallel_loop3A_197, %parallel_loop3A_202 : i32
      %parallel_loop3A_204 = arith.index_cast %parallel_loop3A_193 : i32 to index
      %parallel_loop3A_205 = arith.index_cast %parallel_loop3A_203 : i32 to index
      %parallel_loop3A_206 = tpu.vector_load %arg7[%parallel_loop3A_204, %parallel_loop3A_205] {strides = array<i32>} : memref<32x1024xf32, #tpu.memory_space<vmem>>, vector<1x16xf32>,
      %parallel_loop3A_207 = vector.shape_cast %parallel_loop3A_206 : vector<1x16xf32> to vector<16xf32>
      %parallel_loop3A_208 = tpu.bitcast %parallel_loop3A_201 : vector<16xf32> -> vector<16xi32>
      %parallel_loop3A_209 = vector.broadcast %parallel_loop3A_39 : i32 to vector<16xi32>
      %parallel_loop3A_210 = arith.addi %parallel_loop3A_208, %parallel_loop3A_209 : vector<16xi32>
      %parallel_loop3A_211 = tpu.bitcast %parallel_loop3A_207 : vector<16xf32> -> vector<16xi32>
      %parallel_loop3A_212 = vector.broadcast %parallel_loop3A_39 : i32 to vector<16xi32>
      %parallel_loop3A_213 = arith.addi %parallel_loop3A_211, %parallel_loop3A_212 : vector<16xi32>
      %parallel_loop3A_214 = arith.constant 16 : i32
      %parallel_loop3A_215 = vector.broadcast %parallel_loop3A_214 : i32 to vector<16xi32>
      %parallel_loop3A_216 = arith.shrui %parallel_loop3A_210, %parallel_loop3A_215 : vector<16xi32>
      %parallel_loop3A_217 = vector.broadcast %parallel_loop3A_40 : i32 to vector<16xi32>
      %parallel_loop3A_218 = arith.andi %parallel_loop3A_213, %parallel_loop3A_217 : vector<16xi32>
      %parallel_loop3A_219 = arith.ori %parallel_loop3A_216, %parallel_loop3A_218 : vector<16xi32>
      %parallel_loop3A_220 = arith.constant 16 : i32
      %parallel_loop3A_221 = arith.muli %parallel_loop3A_191, %parallel_loop3A_220 : i32
      %parallel_loop3A_222 = arith.index_cast %parallel_loop3A_221 : i32 to index
      %parallel_loop3A_223 = tpu.vector_load %arg9[%parallel_loop3A_222] {strides = array<i32>} : memref<16384xi32, #tpu.memory_space<vmem>>, vector<16xi32>,
      %parallel_loop3A_224 = vector.shape_cast %parallel_loop3A_223 : vector<16xi32> to vector<16xi32>
      %parallel_loop3A_225 = vector.shape_cast %parallel_loop3A_219 : vector<16xi32> to vector<16xi32>
      tpu.vector_store %arg9[%parallel_loop3A_222], %parallel_loop3A_225 {strides = array<i32>} : memref<16384xi32, #tpu.memory_space<vmem>>, vector<16xi32>,
    } {sc.loop_unroll_factor = 8 : i64, sc.parallel_access}
    %add3A_41 = arith.constant 32 : i32
    %add3A_42 = arith.addi %mul3A_2, %add3A_41 : i32
    %mul3A_43 = arith.constant 512 : i32
    %mul3A_44 = arith.muli %add3A_42, %mul3A_43 : i32
    %multiple_of3A_45 = tpu.assume_multiple %mul3A_44, 8 : i32
    %dma_start3A_46 = tpu.memref_slice %arg4[%multiple_of3A_45] : memref<4194304xi32, #tpu.memory_space<hbm>> -> memref<16384xi32, #tpu.memory_space<hbm>>
    %dma_start3A_47 = tpu.memref_slice %arg4[%multiple_of3A_45] : memref<4194304xi32, #tpu.memory_space<hbm>> -> memref<16384xi32, #tpu.memory_space<hbm>>
    tpu.enqueue_dma source(%arg9 : memref<16384xi32, #tpu.memory_space<vmem>>) target(%dma_start3A_47 : memref<16384xi32, #tpu.memory_space<hbm>>) target_semaphore(%arg13 : memref<!tpu.dma_semaphore, #tpu.memory_space<semaphore_mem>>)
    %dma_wait3A_48 = arith.constant 64 : i32
    %dma_wait3A_49 = tpu.memref_slice %arg5[%dma_wait3A_48] : memref<256xi32, #tpu.memory_space<vmem>> -> memref<32xi32, #tpu.memory_space<vmem>>
    %dma_wait3A_50 = arith.constant 0 : i32
    %dma_wait3A_51 = arith.constant 0 : i32
    %dma_wait3A_52 = tpu.memref_slice %arg2[%dma_wait3A_50, %dma_wait3A_51] : memref<100000x1024xf32, #tpu.memory_space<hbm>> -> memref<100000x1024xf32, #tpu.memory_space<hbm>>
    tpu.wait_indirect_dma semaphore(%arg10 : memref<!tpu.dma_semaphore, #tpu.memory_space<semaphore_mem>>) src(%dma_wait3A_52 : memref<100000x1024xf32, #tpu.memory_space<hbm>>) dst(%arg6 : memref<32x1024xf32, #tpu.memory_space<vmem>>)
    %dma_start3A_53 = arith.constant 96 : i32
    %dma_start3A_54 = tpu.memref_slice %arg5[%dma_start3A_53] : memref<256xi32, #tpu.memory_space<vmem>> -> memref<32xi32, #tpu.memory_space<vmem>>
    %dma_start3A_55 = arith.constant 0 : i32
    %dma_start3A_56 = arith.constant 0 : i32
    %dma_start3A_57 = tpu.memref_slice %arg2[%dma_start3A_55, %dma_start3A_56] : memref<100000x1024xf32, #tpu.memory_space<hbm>> -> memref<100000x1024xf32, #tpu.memory_space<hbm>>
    tpu.enqueue_indirect_dma source(%dma_start3A_57 : memref<100000x1024xf32, #tpu.memory_space<hbm>>) target(%arg7 : memref<32x1024xf32, #tpu.memory_space<vmem>>) offsets(%dma_start3A_54 : memref<32xi32, #tpu.memory_space<vmem>>) semaphore(%arg11 : memref<!tpu.dma_semaphore, #tpu.memory_space<semaphore_mem>>)
    %dma_wait3A_58 = tpu.memref_slice %arg4[%multiple_of3A] : memref<4194304xi32, #tpu.memory_space<hbm>> -> memref<16384xi32, #tpu.memory_space<hbm>>
    %dma_wait3A_59 = tpu.memref_slice %arg4[%multiple_of3A] : memref<4194304xi32, #tpu.memory_space<hbm>> -> memref<16384xi32, #tpu.memory_space<hbm>>
    tpu.wait_dma2 semaphore(%arg12 : memref<!tpu.dma_semaphore, #tpu.memory_space<semaphore_mem>>) src(%arg8 : memref<16384xi32, #tpu.memory_space<vmem>>) dst(%dma_wait3A_59 : memref<16384xi32, #tpu.memory_space<hbm>>)
    %parallel_loop3A_60 = arith.constant 0 : i32
    %parallel_loop3A_61 = arith.constant 1024 : i32
    %parallel_loop3A_62 = arith.constant 1 : i32
    %parallel_loop3A_63 = arith.constant 32768 : i32
    %parallel_loop3A_64 = arith.constant -65536 : i32
    scf.for %parallel_loop3A_191 = %parallel_loop3A_60 to %parallel_loop3A_61 step %parallel_loop3A_62  : i32 {
      %parallel_loop3A_192 = arith.constant 5 : i32
      %parallel_loop3A_193 = arith.shrsi %parallel_loop3A_191, %parallel_loop3A_192 : i32
      %parallel_loop3A_194 = arith.constant 31 : i32
      %parallel_loop3A_195 = arith.andi %parallel_loop3A_191, %parallel_loop3A_194 : i32
      %parallel_loop3A_196 = arith.constant 16 : i32
      %parallel_loop3A_197 = arith.muli %parallel_loop3A_195, %parallel_loop3A_196 : i32
      %parallel_loop3A_198 = arith.index_cast %parallel_loop3A_193 : i32 to index
      %parallel_loop3A_199 = arith.index_cast %parallel_loop3A_197 : i32 to index
      %parallel_loop3A_200 = tpu.vector_load %arg6[%parallel_loop3A_198, %parallel_loop3A_199] {strides = array<i32>} : memref<32x1024xf32, #tpu.memory_space<vmem>>, vector<1x16xf32>,
      %parallel_loop3A_201 = vector.shape_cast %parallel_loop3A_200 : vector<1x16xf32> to vector<16xf32>
      %parallel_loop3A_202 = arith.constant 512 : i32
      %parallel_loop3A_203 = arith.addi %parallel_loop3A_197, %parallel_loop3A_202 : i32
      %parallel_loop3A_204 = arith.index_cast %parallel_loop3A_193 : i32 to index
      %parallel_loop3A_205 = arith.index_cast %parallel_loop3A_203 : i32 to index
      %parallel_loop3A_206 = tpu.vector_load %arg6[%parallel_loop3A_204, %parallel_loop3A_205] {strides = array<i32>} : memref<32x1024xf32, #tpu.memory_space<vmem>>, vector<1x16xf32>,
      %parallel_loop3A_207 = vector.shape_cast %parallel_loop3A_206 : vector<1x16xf32> to vector<16xf32>
      %parallel_loop3A_208 = tpu.bitcast %parallel_loop3A_201 : vector<16xf32> -> vector<16xi32>
      %parallel_loop3A_209 = vector.broadcast %parallel_loop3A_63 : i32 to vector<16xi32>
      %parallel_loop3A_210 = arith.addi %parallel_loop3A_208, %parallel_loop3A_209 : vector<16xi32>
      %parallel_loop3A_211 = tpu.bitcast %parallel_loop3A_207 : vector<16xf32> -> vector<16xi32>
      %parallel_loop3A_212 = vector.broadcast %parallel_loop3A_63 : i32 to vector<16xi32>
      %parallel_loop3A_213 = arith.addi %parallel_loop3A_211, %parallel_loop3A_212 : vector<16xi32>
      %parallel_loop3A_214 = arith.constant 16 : i32
      %parallel_loop3A_215 = vector.broadcast %parallel_loop3A_214 : i32 to vector<16xi32>
      %parallel_loop3A_216 = arith.shrui %parallel_loop3A_210, %parallel_loop3A_215 : vector<16xi32>
      %parallel_loop3A_217 = vector.broadcast %parallel_loop3A_64 : i32 to vector<16xi32>
      %parallel_loop3A_218 = arith.andi %parallel_loop3A_213, %parallel_loop3A_217 : vector<16xi32>
      %parallel_loop3A_219 = arith.ori %parallel_loop3A_216, %parallel_loop3A_218 : vector<16xi32>
      %parallel_loop3A_220 = arith.constant 16 : i32
      %parallel_loop3A_221 = arith.muli %parallel_loop3A_191, %parallel_loop3A_220 : i32
      %parallel_loop3A_222 = arith.index_cast %parallel_loop3A_221 : i32 to index
      %parallel_loop3A_223 = tpu.vector_load %arg8[%parallel_loop3A_222] {strides = array<i32>} : memref<16384xi32, #tpu.memory_space<vmem>>, vector<16xi32>,
      %parallel_loop3A_224 = vector.shape_cast %parallel_loop3A_223 : vector<16xi32> to vector<16xi32>
      %parallel_loop3A_225 = vector.shape_cast %parallel_loop3A_219 : vector<16xi32> to vector<16xi32>
      tpu.vector_store %arg8[%parallel_loop3A_222], %parallel_loop3A_225 {strides = array<i32>} : memref<16384xi32, #tpu.memory_space<vmem>>, vector<16xi32>,
    } {sc.loop_unroll_factor = 8 : i64, sc.parallel_access}
    %add3A_65 = arith.constant 64 : i32
    %add3A_66 = arith.addi %mul3A_2, %add3A_65 : i32
    %mul3A_67 = arith.constant 512 : i32
    %mul3A_68 = arith.muli %add3A_66, %mul3A_67 : i32
    %multiple_of3A_69 = tpu.assume_multiple %mul3A_68, 8 : i32
    %dma_start3A_70 = tpu.memref_slice %arg4[%multiple_of3A_69] : memref<4194304xi32, #tpu.memory_space<hbm>> -> memref<16384xi32, #tpu.memory_space<hbm>>
    %dma_start3A_71 = tpu.memref_slice %arg4[%multiple_of3A_69] : memref<4194304xi32, #tpu.memory_space<hbm>> -> memref<16384xi32, #tpu.memory_space<hbm>>
    tpu.enqueue_dma source(%arg8 : memref<16384xi32, #tpu.memory_space<vmem>>) target(%dma_start3A_71 : memref<16384xi32, #tpu.memory_space<hbm>>) target_semaphore(%arg12 : memref<!tpu.dma_semaphore, #tpu.memory_space<semaphore_mem>>)
    %dma_wait3A_72 = arith.constant 96 : i32
    %dma_wait3A_73 = tpu.memref_slice %arg5[%dma_wait3A_72] : memref<256xi32, #tpu.memory_space<vmem>> -> memref<32xi32, #tpu.memory_space<vmem>>
    %dma_wait3A_74 = arith.constant 0 : i32
    %dma_wait3A_75 = arith.constant 0 : i32
    %dma_wait3A_76 = tpu.memref_slice %arg2[%dma_wait3A_74, %dma_wait3A_75] : memref<100000x1024xf32, #tpu.memory_space<hbm>> -> memref<100000x1024xf32, #tpu.memory_space<hbm>>
    tpu.wait_indirect_dma semaphore(%arg11 : memref<!tpu.dma_semaphore, #tpu.memory_space<semaphore_mem>>) src(%dma_wait3A_76 : memref<100000x1024xf32, #tpu.memory_space<hbm>>) dst(%arg7 : memref<32x1024xf32, #tpu.memory_space<vmem>>)
    %dma_start3A_77 = arith.constant 128 : i32
    %dma_start3A_78 = tpu.memref_slice %arg5[%dma_start3A_77] : memref<256xi32, #tpu.memory_space<vmem>> -> memref<32xi32, #tpu.memory_space<vmem>>
    %dma_start3A_79 = arith.constant 0 : i32
    %dma_start3A_80 = arith.constant 0 : i32
    %dma_start3A_81 = tpu.memref_slice %arg2[%dma_start3A_79, %dma_start3A_80] : memref<100000x1024xf32, #tpu.memory_space<hbm>> -> memref<100000x1024xf32, #tpu.memory_space<hbm>>
    tpu.enqueue_indirect_dma source(%dma_start3A_81 : memref<100000x1024xf32, #tpu.memory_space<hbm>>) target(%arg6 : memref<32x1024xf32, #tpu.memory_space<vmem>>) offsets(%dma_start3A_78 : memref<32xi32, #tpu.memory_space<vmem>>) semaphore(%arg10 : memref<!tpu.dma_semaphore, #tpu.memory_space<semaphore_mem>>)
    %dma_wait3A_82 = tpu.memref_slice %arg4[%multiple_of3A_45] : memref<4194304xi32, #tpu.memory_space<hbm>> -> memref<16384xi32, #tpu.memory_space<hbm>>
    %dma_wait3A_83 = tpu.memref_slice %arg4[%multiple_of3A_45] : memref<4194304xi32, #tpu.memory_space<hbm>> -> memref<16384xi32, #tpu.memory_space<hbm>>
    tpu.wait_dma2 semaphore(%arg13 : memref<!tpu.dma_semaphore, #tpu.memory_space<semaphore_mem>>) src(%arg9 : memref<16384xi32, #tpu.memory_space<vmem>>) dst(%dma_wait3A_83 : memref<16384xi32, #tpu.memory_space<hbm>>)
    %parallel_loop3A_84 = arith.constant 0 : i32
    %parallel_loop3A_85 = arith.constant 1024 : i32
    %parallel_loop3A_86 = arith.constant 1 : i32
    %parallel_loop3A_87 = arith.constant 32768 : i32
    %parallel_loop3A_88 = arith.constant -65536 : i32
    scf.for %parallel_loop3A_191 = %parallel_loop3A_84 to %parallel_loop3A_85 step %parallel_loop3A_86  : i32 {
      %parallel_loop3A_192 = arith.constant 5 : i32
      %parallel_loop3A_193 = arith.shrsi %parallel_loop3A_191, %parallel_loop3A_192 : i32
      %parallel_loop3A_194 = arith.constant 31 : i32
      %parallel_loop3A_195 = arith.andi %parallel_loop3A_191, %parallel_loop3A_194 : i32
      %parallel_loop3A_196 = arith.constant 16 : i32
      %parallel_loop3A_197 = arith.muli %parallel_loop3A_195, %parallel_loop3A_196 : i32
      %parallel_loop3A_198 = arith.index_cast %parallel_loop3A_193 : i32 to index
      %parallel_loop3A_199 = arith.index_cast %parallel_loop3A_197 : i32 to index
      %parallel_loop3A_200 = tpu.vector_load %arg7[%parallel_loop3A_198, %parallel_loop3A_199] {strides = array<i32>} : memref<32x1024xf32, #tpu.memory_space<vmem>>, vector<1x16xf32>,
      %parallel_loop3A_201 = vector.shape_cast %parallel_loop3A_200 : vector<1x16xf32> to vector<16xf32>
      %parallel_loop3A_202 = arith.constant 512 : i32
      %parallel_loop3A_203 = arith.addi %parallel_loop3A_197, %parallel_loop3A_202 : i32
      %parallel_loop3A_204 = arith.index_cast %parallel_loop3A_193 : i32 to index
      %parallel_loop3A_205 = arith.index_cast %parallel_loop3A_203 : i32 to index
      %parallel_loop3A_206 = tpu.vector_load %arg7[%parallel_loop3A_204, %parallel_loop3A_205] {strides = array<i32>} : memref<32x1024xf32, #tpu.memory_space<vmem>>, vector<1x16xf32>,
      %parallel_loop3A_207 = vector.shape_cast %parallel_loop3A_206 : vector<1x16xf32> to vector<16xf32>
      %parallel_loop3A_208 = tpu.bitcast %parallel_loop3A_201 : vector<16xf32> -> vector<16xi32>
      %parallel_loop3A_209 = vector.broadcast %parallel_loop3A_87 : i32 to vector<16xi32>
      %parallel_loop3A_210 = arith.addi %parallel_loop3A_208, %parallel_loop3A_209 : vector<16xi32>
      %parallel_loop3A_211 = tpu.bitcast %parallel_loop3A_207 : vector<16xf32> -> vector<16xi32>
      %parallel_loop3A_212 = vector.broadcast %parallel_loop3A_87 : i32 to vector<16xi32>
      %parallel_loop3A_213 = arith.addi %parallel_loop3A_211, %parallel_loop3A_212 : vector<16xi32>
      %parallel_loop3A_214 = arith.constant 16 : i32
      %parallel_loop3A_215 = vector.broadcast %parallel_loop3A_214 : i32 to vector<16xi32>
      %parallel_loop3A_216 = arith.shrui %parallel_loop3A_210, %parallel_loop3A_215 : vector<16xi32>
      %parallel_loop3A_217 = vector.broadcast %parallel_loop3A_88 : i32 to vector<16xi32>
      %parallel_loop3A_218 = arith.andi %parallel_loop3A_213, %parallel_loop3A_217 : vector<16xi32>
      %parallel_loop3A_219 = arith.ori %parallel_loop3A_216, %parallel_loop3A_218 : vector<16xi32>
      %parallel_loop3A_220 = arith.constant 16 : i32
      %parallel_loop3A_221 = arith.muli %parallel_loop3A_191, %parallel_loop3A_220 : i32
      %parallel_loop3A_222 = arith.index_cast %parallel_loop3A_221 : i32 to index
      %parallel_loop3A_223 = tpu.vector_load %arg9[%parallel_loop3A_222] {strides = array<i32>} : memref<16384xi32, #tpu.memory_space<vmem>>, vector<16xi32>,
      %parallel_loop3A_224 = vector.shape_cast %parallel_loop3A_223 : vector<16xi32> to vector<16xi32>
      %parallel_loop3A_225 = vector.shape_cast %parallel_loop3A_219 : vector<16xi32> to vector<16xi32>
      tpu.vector_store %arg9[%parallel_loop3A_222], %parallel_loop3A_225 {strides = array<i32>} : memref<16384xi32, #tpu.memory_space<vmem>>, vector<16xi32>,
    } {sc.loop_unroll_factor = 8 : i64, sc.parallel_access}
    %add3A_89 = arith.constant 96 : i32
    %add3A_90 = arith.addi %mul3A_2, %add3A_89 : i32
    %mul3A_91 = arith.constant 512 : i32
    %mul3A_92 = arith.muli %add3A_90, %mul3A_91 : i32
    %multiple_of3A_93 = tpu.assume_multiple %mul3A_92, 8 : i32
    %dma_start3A_94 = tpu.memref_slice %arg4[%multiple_of3A_93] : memref<4194304xi32, #tpu.memory_space<hbm>> -> memref<16384xi32, #tpu.memory_space<hbm>>
    %dma_start3A_95 = tpu.memref_slice %arg4[%multiple_of3A_93] : memref<4194304xi32, #tpu.memory_space<hbm>> -> memref<16384xi32, #tpu.memory_space<hbm>>
    tpu.enqueue_dma source(%arg9 : memref<16384xi32, #tpu.memory_space<vmem>>) target(%dma_start3A_95 : memref<16384xi32, #tpu.memory_space<hbm>>) target_semaphore(%arg13 : memref<!tpu.dma_semaphore, #tpu.memory_space<semaphore_mem>>)
    %dma_wait3A_96 = arith.constant 128 : i32
    %dma_wait3A_97 = tpu.memref_slice %arg5[%dma_wait3A_96] : memref<256xi32, #tpu.memory_space<vmem>> -> memref<32xi32, #tpu.memory_space<vmem>>
    %dma_wait3A_98 = arith.constant 0 : i32
    %dma_wait3A_99 = arith.constant 0 : i32
    %dma_wait3A_100 = tpu.memref_slice %arg2[%dma_wait3A_98, %dma_wait3A_99] : memref<100000x1024xf32, #tpu.memory_space<hbm>> -> memref<100000x1024xf32, #tpu.memory_space<hbm>>
    tpu.wait_indirect_dma semaphore(%arg10 : memref<!tpu.dma_semaphore, #tpu.memory_space<semaphore_mem>>) src(%dma_wait3A_100 : memref<100000x1024xf32, #tpu.memory_space<hbm>>) dst(%arg6 : memref<32x1024xf32, #tpu.memory_space<vmem>>)
    %dma_start3A_101 = arith.constant 160 : i32
    %dma_start3A_102 = tpu.memref_slice %arg5[%dma_start3A_101] : memref<256xi32, #tpu.memory_space<vmem>> -> memref<32xi32, #tpu.memory_space<vmem>>
    %dma_start3A_103 = arith.constant 0 : i32
    %dma_start3A_104 = arith.constant 0 : i32
    %dma_start3A_105 = tpu.memref_slice %arg2[%dma_start3A_103, %dma_start3A_104] : memref<100000x1024xf32, #tpu.memory_space<hbm>> -> memref<100000x1024xf32, #tpu.memory_space<hbm>>
    tpu.enqueue_indirect_dma source(%dma_start3A_105 : memref<100000x1024xf32, #tpu.memory_space<hbm>>) target(%arg7 : memref<32x1024xf32, #tpu.memory_space<vmem>>) offsets(%dma_start3A_102 : memref<32xi32, #tpu.memory_space<vmem>>) semaphore(%arg11 : memref<!tpu.dma_semaphore, #tpu.memory_space<semaphore_mem>>)
    %dma_wait3A_106 = tpu.memref_slice %arg4[%multiple_of3A_69] : memref<4194304xi32, #tpu.memory_space<hbm>> -> memref<16384xi32, #tpu.memory_space<hbm>>
    %dma_wait3A_107 = tpu.memref_slice %arg4[%multiple_of3A_69] : memref<4194304xi32, #tpu.memory_space<hbm>> -> memref<16384xi32, #tpu.memory_space<hbm>>
    tpu.wait_dma2 semaphore(%arg12 : memref<!tpu.dma_semaphore, #tpu.memory_space<semaphore_mem>>) src(%arg8 : memref<16384xi32, #tpu.memory_space<vmem>>) dst(%dma_wait3A_107 : memref<16384xi32, #tpu.memory_space<hbm>>)
    %parallel_loop3A_108 = arith.constant 0 : i32
    %parallel_loop3A_109 = arith.constant 1024 : i32
    %parallel_loop3A_110 = arith.constant 1 : i32
    %parallel_loop3A_111 = arith.constant 32768 : i32
    %parallel_loop3A_112 = arith.constant -65536 : i32
    scf.for %parallel_loop3A_191 = %parallel_loop3A_108 to %parallel_loop3A_109 step %parallel_loop3A_110  : i32 {
      %parallel_loop3A_192 = arith.constant 5 : i32
      %parallel_loop3A_193 = arith.shrsi %parallel_loop3A_191, %parallel_loop3A_192 : i32
      %parallel_loop3A_194 = arith.constant 31 : i32
      %parallel_loop3A_195 = arith.andi %parallel_loop3A_191, %parallel_loop3A_194 : i32
      %parallel_loop3A_196 = arith.constant 16 : i32
      %parallel_loop3A_197 = arith.muli %parallel_loop3A_195, %parallel_loop3A_196 : i32
      %parallel_loop3A_198 = arith.index_cast %parallel_loop3A_193 : i32 to index
      %parallel_loop3A_199 = arith.index_cast %parallel_loop3A_197 : i32 to index
      %parallel_loop3A_200 = tpu.vector_load %arg6[%parallel_loop3A_198, %parallel_loop3A_199] {strides = array<i32>} : memref<32x1024xf32, #tpu.memory_space<vmem>>, vector<1x16xf32>,
      %parallel_loop3A_201 = vector.shape_cast %parallel_loop3A_200 : vector<1x16xf32> to vector<16xf32>
      %parallel_loop3A_202 = arith.constant 512 : i32
      %parallel_loop3A_203 = arith.addi %parallel_loop3A_197, %parallel_loop3A_202 : i32
      %parallel_loop3A_204 = arith.index_cast %parallel_loop3A_193 : i32 to index
      %parallel_loop3A_205 = arith.index_cast %parallel_loop3A_203 : i32 to index
      %parallel_loop3A_206 = tpu.vector_load %arg6[%parallel_loop3A_204, %parallel_loop3A_205] {strides = array<i32>} : memref<32x1024xf32, #tpu.memory_space<vmem>>, vector<1x16xf32>,
      %parallel_loop3A_207 = vector.shape_cast %parallel_loop3A_206 : vector<1x16xf32> to vector<16xf32>
      %parallel_loop3A_208 = tpu.bitcast %parallel_loop3A_201 : vector<16xf32> -> vector<16xi32>
      %parallel_loop3A_209 = vector.broadcast %parallel_loop3A_111 : i32 to vector<16xi32>
      %parallel_loop3A_210 = arith.addi %parallel_loop3A_208, %parallel_loop3A_209 : vector<16xi32>
      %parallel_loop3A_211 = tpu.bitcast %parallel_loop3A_207 : vector<16xf32> -> vector<16xi32>
      %parallel_loop3A_212 = vector.broadcast %parallel_loop3A_111 : i32 to vector<16xi32>
      %parallel_loop3A_213 = arith.addi %parallel_loop3A_211, %parallel_loop3A_212 : vector<16xi32>
      %parallel_loop3A_214 = arith.constant 16 : i32
      %parallel_loop3A_215 = vector.broadcast %parallel_loop3A_214 : i32 to vector<16xi32>
      %parallel_loop3A_216 = arith.shrui %parallel_loop3A_210, %parallel_loop3A_215 : vector<16xi32>
      %parallel_loop3A_217 = vector.broadcast %parallel_loop3A_112 : i32 to vector<16xi32>
      %parallel_loop3A_218 = arith.andi %parallel_loop3A_213, %parallel_loop3A_217 : vector<16xi32>
      %parallel_loop3A_219 = arith.ori %parallel_loop3A_216, %parallel_loop3A_218 : vector<16xi32>
      %parallel_loop3A_220 = arith.constant 16 : i32
      %parallel_loop3A_221 = arith.muli %parallel_loop3A_191, %parallel_loop3A_220 : i32
      %parallel_loop3A_222 = arith.index_cast %parallel_loop3A_221 : i32 to index
      %parallel_loop3A_223 = tpu.vector_load %arg8[%parallel_loop3A_222] {strides = array<i32>} : memref<16384xi32, #tpu.memory_space<vmem>>, vector<16xi32>,
      %parallel_loop3A_224 = vector.shape_cast %parallel_loop3A_223 : vector<16xi32> to vector<16xi32>
      %parallel_loop3A_225 = vector.shape_cast %parallel_loop3A_219 : vector<16xi32> to vector<16xi32>
      tpu.vector_store %arg8[%parallel_loop3A_222], %parallel_loop3A_225 {strides = array<i32>} : memref<16384xi32, #tpu.memory_space<vmem>>, vector<16xi32>,
    } {sc.loop_unroll_factor = 8 : i64, sc.parallel_access}
    %add3A_113 = arith.constant 128 : i32
    %add3A_114 = arith.addi %mul3A_2, %add3A_113 : i32
    %mul3A_115 = arith.constant 512 : i32
    %mul3A_116 = arith.muli %add3A_114, %mul3A_115 : i32
    %multiple_of3A_117 = tpu.assume_multiple %mul3A_116, 8 : i32
    %dma_start3A_118 = tpu.memref_slice %arg4[%multiple_of3A_117] : memref<4194304xi32, #tpu.memory_space<hbm>> -> memref<16384xi32, #tpu.memory_space<hbm>>
    %dma_start3A_119 = tpu.memref_slice %arg4[%multiple_of3A_117] : memref<4194304xi32, #tpu.memory_space<hbm>> -> memref<16384xi32, #tpu.memory_space<hbm>>
    tpu.enqueue_dma source(%arg8 : memref<16384xi32, #tpu.memory_space<vmem>>) target(%dma_start3A_119 : memref<16384xi32, #tpu.memory_space<hbm>>) target_semaphore(%arg12 : memref<!tpu.dma_semaphore, #tpu.memory_space<semaphore_mem>>)
    %dma_wait3A_120 = arith.constant 160 : i32
    %dma_wait3A_121 = tpu.memref_slice %arg5[%dma_wait3A_120] : memref<256xi32, #tpu.memory_space<vmem>> -> memref<32xi32, #tpu.memory_space<vmem>>
    %dma_wait3A_122 = arith.constant 0 : i32
    %dma_wait3A_123 = arith.constant 0 : i32
    %dma_wait3A_124 = tpu.memref_slice %arg2[%dma_wait3A_122, %dma_wait3A_123] : memref<100000x1024xf32, #tpu.memory_space<hbm>> -> memref<100000x1024xf32, #tpu.memory_space<hbm>>
    tpu.wait_indirect_dma semaphore(%arg11 : memref<!tpu.dma_semaphore, #tpu.memory_space<semaphore_mem>>) src(%dma_wait3A_124 : memref<100000x1024xf32, #tpu.memory_space<hbm>>) dst(%arg7 : memref<32x1024xf32, #tpu.memory_space<vmem>>)
    %dma_start3A_125 = arith.constant 192 : i32
    %dma_start3A_126 = tpu.memref_slice %arg5[%dma_start3A_125] : memref<256xi32, #tpu.memory_space<vmem>> -> memref<32xi32, #tpu.memory_space<vmem>>
    %dma_start3A_127 = arith.constant 0 : i32
    %dma_start3A_128 = arith.constant 0 : i32
    %dma_start3A_129 = tpu.memref_slice %arg2[%dma_start3A_127, %dma_start3A_128] : memref<100000x1024xf32, #tpu.memory_space<hbm>> -> memref<100000x1024xf32, #tpu.memory_space<hbm>>
    tpu.enqueue_indirect_dma source(%dma_start3A_129 : memref<100000x1024xf32, #tpu.memory_space<hbm>>) target(%arg6 : memref<32x1024xf32, #tpu.memory_space<vmem>>) offsets(%dma_start3A_126 : memref<32xi32, #tpu.memory_space<vmem>>) semaphore(%arg10 : memref<!tpu.dma_semaphore, #tpu.memory_space<semaphore_mem>>)
    %dma_wait3A_130 = tpu.memref_slice %arg4[%multiple_of3A_93] : memref<4194304xi32, #tpu.memory_space<hbm>> -> memref<16384xi32, #tpu.memory_space<hbm>>
    %dma_wait3A_131 = tpu.memref_slice %arg4[%multiple_of3A_93] : memref<4194304xi32, #tpu.memory_space<hbm>> -> memref<16384xi32, #tpu.memory_space<hbm>>
    tpu.wait_dma2 semaphore(%arg13 : memref<!tpu.dma_semaphore, #tpu.memory_space<semaphore_mem>>) src(%arg9 : memref<16384xi32, #tpu.memory_space<vmem>>) dst(%dma_wait3A_131 : memref<16384xi32, #tpu.memory_space<hbm>>)
    %parallel_loop3A_132 = arith.constant 0 : i32
    %parallel_loop3A_133 = arith.constant 1024 : i32
    %parallel_loop3A_134 = arith.constant 1 : i32
    %parallel_loop3A_135 = arith.constant 32768 : i32
    %parallel_loop3A_136 = arith.constant -65536 : i32
    scf.for %parallel_loop3A_191 = %parallel_loop3A_132 to %parallel_loop3A_133 step %parallel_loop3A_134  : i32 {
      %parallel_loop3A_192 = arith.constant 5 : i32
      %parallel_loop3A_193 = arith.shrsi %parallel_loop3A_191, %parallel_loop3A_192 : i32
      %parallel_loop3A_194 = arith.constant 31 : i32
      %parallel_loop3A_195 = arith.andi %parallel_loop3A_191, %parallel_loop3A_194 : i32
      %parallel_loop3A_196 = arith.constant 16 : i32
      %parallel_loop3A_197 = arith.muli %parallel_loop3A_195, %parallel_loop3A_196 : i32
      %parallel_loop3A_198 = arith.index_cast %parallel_loop3A_193 : i32 to index
      %parallel_loop3A_199 = arith.index_cast %parallel_loop3A_197 : i32 to index
      %parallel_loop3A_200 = tpu.vector_load %arg7[%parallel_loop3A_198, %parallel_loop3A_199] {strides = array<i32>} : memref<32x1024xf32, #tpu.memory_space<vmem>>, vector<1x16xf32>,
      %parallel_loop3A_201 = vector.shape_cast %parallel_loop3A_200 : vector<1x16xf32> to vector<16xf32>
      %parallel_loop3A_202 = arith.constant 512 : i32
      %parallel_loop3A_203 = arith.addi %parallel_loop3A_197, %parallel_loop3A_202 : i32
      %parallel_loop3A_204 = arith.index_cast %parallel_loop3A_193 : i32 to index
      %parallel_loop3A_205 = arith.index_cast %parallel_loop3A_203 : i32 to index
      %parallel_loop3A_206 = tpu.vector_load %arg7[%parallel_loop3A_204, %parallel_loop3A_205] {strides = array<i32>} : memref<32x1024xf32, #tpu.memory_space<vmem>>, vector<1x16xf32>,
      %parallel_loop3A_207 = vector.shape_cast %parallel_loop3A_206 : vector<1x16xf32> to vector<16xf32>
      %parallel_loop3A_208 = tpu.bitcast %parallel_loop3A_201 : vector<16xf32> -> vector<16xi32>
      %parallel_loop3A_209 = vector.broadcast %parallel_loop3A_135 : i32 to vector<16xi32>
      %parallel_loop3A_210 = arith.addi %parallel_loop3A_208, %parallel_loop3A_209 : vector<16xi32>
      %parallel_loop3A_211 = tpu.bitcast %parallel_loop3A_207 : vector<16xf32> -> vector<16xi32>
      %parallel_loop3A_212 = vector.broadcast %parallel_loop3A_135 : i32 to vector<16xi32>
      %parallel_loop3A_213 = arith.addi %parallel_loop3A_211, %parallel_loop3A_212 : vector<16xi32>
      %parallel_loop3A_214 = arith.constant 16 : i32
      %parallel_loop3A_215 = vector.broadcast %parallel_loop3A_214 : i32 to vector<16xi32>
      %parallel_loop3A_216 = arith.shrui %parallel_loop3A_210, %parallel_loop3A_215 : vector<16xi32>
      %parallel_loop3A_217 = vector.broadcast %parallel_loop3A_136 : i32 to vector<16xi32>
      %parallel_loop3A_218 = arith.andi %parallel_loop3A_213, %parallel_loop3A_217 : vector<16xi32>
      %parallel_loop3A_219 = arith.ori %parallel_loop3A_216, %parallel_loop3A_218 : vector<16xi32>
      %parallel_loop3A_220 = arith.constant 16 : i32
      %parallel_loop3A_221 = arith.muli %parallel_loop3A_191, %parallel_loop3A_220 : i32
      %parallel_loop3A_222 = arith.index_cast %parallel_loop3A_221 : i32 to index
      %parallel_loop3A_223 = tpu.vector_load %arg9[%parallel_loop3A_222] {strides = array<i32>} : memref<16384xi32, #tpu.memory_space<vmem>>, vector<16xi32>,
      %parallel_loop3A_224 = vector.shape_cast %parallel_loop3A_223 : vector<16xi32> to vector<16xi32>
      %parallel_loop3A_225 = vector.shape_cast %parallel_loop3A_219 : vector<16xi32> to vector<16xi32>
      tpu.vector_store %arg9[%parallel_loop3A_222], %parallel_loop3A_225 {strides = array<i32>} : memref<16384xi32, #tpu.memory_space<vmem>>, vector<16xi32>,
    } {sc.loop_unroll_factor = 8 : i64, sc.parallel_access}
    %add3A_137 = arith.constant 160 : i32
    %add3A_138 = arith.addi %mul3A_2, %add3A_137 : i32
    %mul3A_139 = arith.constant 512 : i32
    %mul3A_140 = arith.muli %add3A_138, %mul3A_139 : i32
    %multiple_of3A_141 = tpu.assume_multiple %mul3A_140, 8 : i32
    %dma_start3A_142 = tpu.memref_slice %arg4[%multiple_of3A_141] : memref<4194304xi32, #tpu.memory_space<hbm>> -> memref<16384xi32, #tpu.memory_space<hbm>>
    %dma_start3A_143 = tpu.memref_slice %arg4[%multiple_of3A_141] : memref<4194304xi32, #tpu.memory_space<hbm>> -> memref<16384xi32, #tpu.memory_space<hbm>>
    tpu.enqueue_dma source(%arg9 : memref<16384xi32, #tpu.memory_space<vmem>>) target(%dma_start3A_143 : memref<16384xi32, #tpu.memory_space<hbm>>) target_semaphore(%arg13 : memref<!tpu.dma_semaphore, #tpu.memory_space<semaphore_mem>>)
    %dma_wait3A_144 = arith.constant 192 : i32
    %dma_wait3A_145 = tpu.memref_slice %arg5[%dma_wait3A_144] : memref<256xi32, #tpu.memory_space<vmem>> -> memref<32xi32, #tpu.memory_space<vmem>>
    %dma_wait3A_146 = arith.constant 0 : i32
    %dma_wait3A_147 = arith.constant 0 : i32
    %dma_wait3A_148 = tpu.memref_slice %arg2[%dma_wait3A_146, %dma_wait3A_147] : memref<100000x1024xf32, #tpu.memory_space<hbm>> -> memref<100000x1024xf32, #tpu.memory_space<hbm>>
    tpu.wait_indirect_dma semaphore(%arg10 : memref<!tpu.dma_semaphore, #tpu.memory_space<semaphore_mem>>) src(%dma_wait3A_148 : memref<100000x1024xf32, #tpu.memory_space<hbm>>) dst(%arg6 : memref<32x1024xf32, #tpu.memory_space<vmem>>)
    %dma_start3A_149 = arith.constant 224 : i32
    %dma_start3A_150 = tpu.memref_slice %arg5[%dma_start3A_149] : memref<256xi32, #tpu.memory_space<vmem>> -> memref<32xi32, #tpu.memory_space<vmem>>
    %dma_start3A_151 = arith.constant 0 : i32
    %dma_start3A_152 = arith.constant 0 : i32
    %dma_start3A_153 = tpu.memref_slice %arg2[%dma_start3A_151, %dma_start3A_152] : memref<100000x1024xf32, #tpu.memory_space<hbm>> -> memref<100000x1024xf32, #tpu.memory_space<hbm>>
    tpu.enqueue_indirect_dma source(%dma_start3A_153 : memref<100000x1024xf32, #tpu.memory_space<hbm>>) target(%arg7 : memref<32x1024xf32, #tpu.memory_space<vmem>>) offsets(%dma_start3A_150 : memref<32xi32, #tpu.memory_space<vmem>>) semaphore(%arg11 : memref<!tpu.dma_semaphore, #tpu.memory_space<semaphore_mem>>)
    %dma_wait3A_154 = tpu.memref_slice %arg4[%multiple_of3A_117] : memref<4194304xi32, #tpu.memory_space<hbm>> -> memref<16384xi32, #tpu.memory_space<hbm>>
    %dma_wait3A_155 = tpu.memref_slice %arg4[%multiple_of3A_117] : memref<4194304xi32, #tpu.memory_space<hbm>> -> memref<16384xi32, #tpu.memory_space<hbm>>
    tpu.wait_dma2 semaphore(%arg12 : memref<!tpu.dma_semaphore, #tpu.memory_space<semaphore_mem>>) src(%arg8 : memref<16384xi32, #tpu.memory_space<vmem>>) dst(%dma_wait3A_155 : memref<16384xi32, #tpu.memory_space<hbm>>)
    %parallel_loop3A_156 = arith.constant 0 : i32
    %parallel_loop3A_157 = arith.constant 1024 : i32
    %parallel_loop3A_158 = arith.constant 1 : i32
    %parallel_loop3A_159 = arith.constant 32768 : i32
    %parallel_loop3A_160 = arith.constant -65536 : i32
    scf.for %parallel_loop3A_191 = %parallel_loop3A_156 to %parallel_loop3A_157 step %parallel_loop3A_158  : i32 {
      %parallel_loop3A_192 = arith.constant 5 : i32
      %parallel_loop3A_193 = arith.shrsi %parallel_loop3A_191, %parallel_loop3A_192 : i32
      %parallel_loop3A_194 = arith.constant 31 : i32
      %parallel_loop3A_195 = arith.andi %parallel_loop3A_191, %parallel_loop3A_194 : i32
      %parallel_loop3A_196 = arith.constant 16 : i32
      %parallel_loop3A_197 = arith.muli %parallel_loop3A_195, %parallel_loop3A_196 : i32
      %parallel_loop3A_198 = arith.index_cast %parallel_loop3A_193 : i32 to index
      %parallel_loop3A_199 = arith.index_cast %parallel_loop3A_197 : i32 to index
      %parallel_loop3A_200 = tpu.vector_load %arg6[%parallel_loop3A_198, %parallel_loop3A_199] {strides = array<i32>} : memref<32x1024xf32, #tpu.memory_space<vmem>>, vector<1x16xf32>,
      %parallel_loop3A_201 = vector.shape_cast %parallel_loop3A_200 : vector<1x16xf32> to vector<16xf32>
      %parallel_loop3A_202 = arith.constant 512 : i32
      %parallel_loop3A_203 = arith.addi %parallel_loop3A_197, %parallel_loop3A_202 : i32
      %parallel_loop3A_204 = arith.index_cast %parallel_loop3A_193 : i32 to index
      %parallel_loop3A_205 = arith.index_cast %parallel_loop3A_203 : i32 to index
      %parallel_loop3A_206 = tpu.vector_load %arg6[%parallel_loop3A_204, %parallel_loop3A_205] {strides = array<i32>} : memref<32x1024xf32, #tpu.memory_space<vmem>>, vector<1x16xf32>,
      %parallel_loop3A_207 = vector.shape_cast %parallel_loop3A_206 : vector<1x16xf32> to vector<16xf32>
      %parallel_loop3A_208 = tpu.bitcast %parallel_loop3A_201 : vector<16xf32> -> vector<16xi32>
      %parallel_loop3A_209 = vector.broadcast %parallel_loop3A_159 : i32 to vector<16xi32>
      %parallel_loop3A_210 = arith.addi %parallel_loop3A_208, %parallel_loop3A_209 : vector<16xi32>
      %parallel_loop3A_211 = tpu.bitcast %parallel_loop3A_207 : vector<16xf32> -> vector<16xi32>
      %parallel_loop3A_212 = vector.broadcast %parallel_loop3A_159 : i32 to vector<16xi32>
      %parallel_loop3A_213 = arith.addi %parallel_loop3A_211, %parallel_loop3A_212 : vector<16xi32>
      %parallel_loop3A_214 = arith.constant 16 : i32
      %parallel_loop3A_215 = vector.broadcast %parallel_loop3A_214 : i32 to vector<16xi32>
      %parallel_loop3A_216 = arith.shrui %parallel_loop3A_210, %parallel_loop3A_215 : vector<16xi32>
      %parallel_loop3A_217 = vector.broadcast %parallel_loop3A_160 : i32 to vector<16xi32>
      %parallel_loop3A_218 = arith.andi %parallel_loop3A_213, %parallel_loop3A_217 : vector<16xi32>
      %parallel_loop3A_219 = arith.ori %parallel_loop3A_216, %parallel_loop3A_218 : vector<16xi32>
      %parallel_loop3A_220 = arith.constant 16 : i32
      %parallel_loop3A_221 = arith.muli %parallel_loop3A_191, %parallel_loop3A_220 : i32
      %parallel_loop3A_222 = arith.index_cast %parallel_loop3A_221 : i32 to index
      %parallel_loop3A_223 = tpu.vector_load %arg8[%parallel_loop3A_222] {strides = array<i32>} : memref<16384xi32, #tpu.memory_space<vmem>>, vector<16xi32>,
      %parallel_loop3A_224 = vector.shape_cast %parallel_loop3A_223 : vector<16xi32> to vector<16xi32>
      %parallel_loop3A_225 = vector.shape_cast %parallel_loop3A_219 : vector<16xi32> to vector<16xi32>
      tpu.vector_store %arg8[%parallel_loop3A_222], %parallel_loop3A_225 {strides = array<i32>} : memref<16384xi32, #tpu.memory_space<vmem>>, vector<16xi32>,
    } {sc.loop_unroll_factor = 8 : i64, sc.parallel_access}
    %add3A_161 = arith.constant 192 : i32
    %add3A_162 = arith.addi %mul3A_2, %add3A_161 : i32
    %mul3A_163 = arith.constant 512 : i32
    %mul3A_164 = arith.muli %add3A_162, %mul3A_163 : i32
    %multiple_of3A_165 = tpu.assume_multiple %mul3A_164, 8 : i32
    %dma_start3A_166 = tpu.memref_slice %arg4[%multiple_of3A_165] : memref<4194304xi32, #tpu.memory_space<hbm>> -> memref<16384xi32, #tpu.memory_space<hbm>>
    %dma_start3A_167 = tpu.memref_slice %arg4[%multiple_of3A_165] : memref<4194304xi32, #tpu.memory_space<hbm>> -> memref<16384xi32, #tpu.memory_space<hbm>>
    tpu.enqueue_dma source(%arg8 : memref<16384xi32, #tpu.memory_space<vmem>>) target(%dma_start3A_167 : memref<16384xi32, #tpu.memory_space<hbm>>) target_semaphore(%arg12 : memref<!tpu.dma_semaphore, #tpu.memory_space<semaphore_mem>>)
    %dma_wait3A_168 = arith.constant 224 : i32
    %dma_wait3A_169 = tpu.memref_slice %arg5[%dma_wait3A_168] : memref<256xi32, #tpu.memory_space<vmem>> -> memref<32xi32, #tpu.memory_space<vmem>>
    %dma_wait3A_170 = arith.constant 0 : i32
    %dma_wait3A_171 = arith.constant 0 : i32
    %dma_wait3A_172 = tpu.memref_slice %arg2[%dma_wait3A_170, %dma_wait3A_171] : memref<100000x1024xf32, #tpu.memory_space<hbm>> -> memref<100000x1024xf32, #tpu.memory_space<hbm>>
    tpu.wait_indirect_dma semaphore(%arg11 : memref<!tpu.dma_semaphore, #tpu.memory_space<semaphore_mem>>) src(%dma_wait3A_172 : memref<100000x1024xf32, #tpu.memory_space<hbm>>) dst(%arg7 : memref<32x1024xf32, #tpu.memory_space<vmem>>)
    %dma_wait3A_173 = tpu.memref_slice %arg4[%multiple_of3A_141] : memref<4194304xi32, #tpu.memory_space<hbm>> -> memref<16384xi32, #tpu.memory_space<hbm>>
    %dma_wait3A_174 = tpu.memref_slice %arg4[%multiple_of3A_141] : memref<4194304xi32, #tpu.memory_space<hbm>> -> memref<16384xi32, #tpu.memory_space<hbm>>
    tpu.wait_dma2 semaphore(%arg13 : memref<!tpu.dma_semaphore, #tpu.memory_space<semaphore_mem>>) src(%arg9 : memref<16384xi32, #tpu.memory_space<vmem>>) dst(%dma_wait3A_174 : memref<16384xi32, #tpu.memory_space<hbm>>)
    %parallel_loop3A_175 = arith.constant 0 : i32
    %parallel_loop3A_176 = arith.constant 1024 : i32
    %parallel_loop3A_177 = arith.constant 1 : i32
    %parallel_loop3A_178 = arith.constant 32768 : i32
    %parallel_loop3A_179 = arith.constant -65536 : i32
    scf.for %parallel_loop3A_191 = %parallel_loop3A_175 to %parallel_loop3A_176 step %parallel_loop3A_177  : i32 {
      %parallel_loop3A_192 = arith.constant 5 : i32
      %parallel_loop3A_193 = arith.shrsi %parallel_loop3A_191, %parallel_loop3A_192 : i32
      %parallel_loop3A_194 = arith.constant 31 : i32
      %parallel_loop3A_195 = arith.andi %parallel_loop3A_191, %parallel_loop3A_194 : i32
      %parallel_loop3A_196 = arith.constant 16 : i32
      %parallel_loop3A_197 = arith.muli %parallel_loop3A_195, %parallel_loop3A_196 : i32
      %parallel_loop3A_198 = arith.index_cast %parallel_loop3A_193 : i32 to index
      %parallel_loop3A_199 = arith.index_cast %parallel_loop3A_197 : i32 to index
      %parallel_loop3A_200 = tpu.vector_load %arg7[%parallel_loop3A_198, %parallel_loop3A_199] {strides = array<i32>} : memref<32x1024xf32, #tpu.memory_space<vmem>>, vector<1x16xf32>,
      %parallel_loop3A_201 = vector.shape_cast %parallel_loop3A_200 : vector<1x16xf32> to vector<16xf32>
      %parallel_loop3A_202 = arith.constant 512 : i32
      %parallel_loop3A_203 = arith.addi %parallel_loop3A_197, %parallel_loop3A_202 : i32
      %parallel_loop3A_204 = arith.index_cast %parallel_loop3A_193 : i32 to index
      %parallel_loop3A_205 = arith.index_cast %parallel_loop3A_203 : i32 to index
      %parallel_loop3A_206 = tpu.vector_load %arg7[%parallel_loop3A_204, %parallel_loop3A_205] {strides = array<i32>} : memref<32x1024xf32, #tpu.memory_space<vmem>>, vector<1x16xf32>,
      %parallel_loop3A_207 = vector.shape_cast %parallel_loop3A_206 : vector<1x16xf32> to vector<16xf32>
      %parallel_loop3A_208 = tpu.bitcast %parallel_loop3A_201 : vector<16xf32> -> vector<16xi32>
      %parallel_loop3A_209 = vector.broadcast %parallel_loop3A_178 : i32 to vector<16xi32>
      %parallel_loop3A_210 = arith.addi %parallel_loop3A_208, %parallel_loop3A_209 : vector<16xi32>
      %parallel_loop3A_211 = tpu.bitcast %parallel_loop3A_207 : vector<16xf32> -> vector<16xi32>
      %parallel_loop3A_212 = vector.broadcast %parallel_loop3A_178 : i32 to vector<16xi32>
      %parallel_loop3A_213 = arith.addi %parallel_loop3A_211, %parallel_loop3A_212 : vector<16xi32>
      %parallel_loop3A_214 = arith.constant 16 : i32
      %parallel_loop3A_215 = vector.broadcast %parallel_loop3A_214 : i32 to vector<16xi32>
      %parallel_loop3A_216 = arith.shrui %parallel_loop3A_210, %parallel_loop3A_215 : vector<16xi32>
      %parallel_loop3A_217 = vector.broadcast %parallel_loop3A_179 : i32 to vector<16xi32>
      %parallel_loop3A_218 = arith.andi %parallel_loop3A_213, %parallel_loop3A_217 : vector<16xi32>
      %parallel_loop3A_219 = arith.ori %parallel_loop3A_216, %parallel_loop3A_218 : vector<16xi32>
      %parallel_loop3A_220 = arith.constant 16 : i32
      %parallel_loop3A_221 = arith.muli %parallel_loop3A_191, %parallel_loop3A_220 : i32
      %parallel_loop3A_222 = arith.index_cast %parallel_loop3A_221 : i32 to index
      %parallel_loop3A_223 = tpu.vector_load %arg9[%parallel_loop3A_222] {strides = array<i32>} : memref<16384xi32, #tpu.memory_space<vmem>>, vector<16xi32>,
      %parallel_loop3A_224 = vector.shape_cast %parallel_loop3A_223 : vector<16xi32> to vector<16xi32>
      %parallel_loop3A_225 = vector.shape_cast %parallel_loop3A_219 : vector<16xi32> to vector<16xi32>
      tpu.vector_store %arg9[%parallel_loop3A_222], %parallel_loop3A_225 {strides = array<i32>} : memref<16384xi32, #tpu.memory_space<vmem>>, vector<16xi32>,
    } {sc.loop_unroll_factor = 8 : i64, sc.parallel_access}
    %add3A_180 = arith.constant 224 : i32
    %add3A_181 = arith.addi %mul3A_2, %add3A_180 : i32
    %mul3A_182 = arith.constant 512 : i32
    %mul3A_183 = arith.muli %add3A_181, %mul3A_182 : i32
    %multiple_of3A_184 = tpu.assume_multiple %mul3A_183, 8 : i32
    %dma_start3A_185 = tpu.memref_slice %arg4[%multiple_of3A_184] : memref<4194304xi32, #tpu.memory_space<hbm>> -> memref<16384xi32, #tpu.memory_space<hbm>>
    %dma_start3A_186 = tpu.memref_slice %arg4[%multiple_of3A_184] : memref<4194304xi32, #tpu.memory_space<hbm>> -> memref<16384xi32, #tpu.memory_space<hbm>>
    tpu.enqueue_dma source(%arg9 : memref<16384xi32, #tpu.memory_space<vmem>>) target(%dma_start3A_186 : memref<16384xi32, #tpu.memory_space<hbm>>) target_semaphore(%arg13 : memref<!tpu.dma_semaphore, #tpu.memory_space<semaphore_mem>>)
    %dma_wait3A_187 = tpu.memref_slice %arg4[%multiple_of3A_165] : memref<4194304xi32, #tpu.memory_space<hbm>> -> memref<16384xi32, #tpu.memory_space<hbm>>
    %dma_wait3A_188 = tpu.memref_slice %arg4[%multiple_of3A_165] : memref<4194304xi32, #tpu.memory_space<hbm>> -> memref<16384xi32, #tpu.memory_space<hbm>>
    tpu.wait_dma2 semaphore(%arg12 : memref<!tpu.dma_semaphore, #tpu.memory_space<semaphore_mem>>) src(%arg8 : memref<16384xi32, #tpu.memory_space<vmem>>) dst(%dma_wait3A_188 : memref<16384xi32, #tpu.memory_space<hbm>>)
    %dma_wait3A_189 = tpu.memref_slice %arg4[%multiple_of3A_184] : memref<4194304xi32, #tpu.memory_space<hbm>> -> memref<16384xi32, #tpu.memory_space<hbm>>
    %dma_wait3A_190 = tpu.memref_slice %arg4[%multiple_of3A_184] : memref<4194304xi32, #tpu.memory_space<hbm>> -> memref<16384xi32, #tpu.memory_space<hbm>>
    tpu.wait_dma2 semaphore(%arg13 : memref<!tpu.dma_semaphore, #tpu.memory_space<semaphore_mem>>) src(%arg9 : memref<16384xi32, #tpu.memory_space<vmem>>) dst(%dma_wait3A_190 : memref<16384xi32, #tpu.memory_space<hbm>>)
    return
  }
}

module attributes {stable_mosaic.version = 14 : i64} {
  func.func @body(%arg0: i32, %arg1: memref<512x512xi32, #tpu.memory_space<vmem>>, %arg2: memref<512x128xf32, #tpu.memory_space<vmem>>, %arg3: memref<128x1024xf32, #tpu.memory_space<vmem>>, %arg4: memref<2048x1024xf32, #tpu.memory_space<vmem>>, %arg5: memref<512x2048xf32, #tpu.memory_space<vmem>>, %arg6: memref<2048x1024xbf16, #tpu.memory_space<vmem>>) attributes {dimension_semantics = [#tpu.dimension_semantics<arbitrary>], iteration_bounds = array<i64: 16>, scalar_prefetch = 0 : i64, scratch_operands = 1 : i64, tpu.core_type = #tpu.core_type<tc>, window_params = [{transform_indices = @transform_0, window_bounds = array<i64: 512, 512>}, {transform_indices = @transform_1, window_bounds = array<i64: 512, 128>}, {pipeline_mode = #tpu.pipeline_mode<synchronous>, transform_indices = @transform_2, window_bounds = array<i64: 128, 1024>}, {pipeline_mode = #tpu.pipeline_mode<synchronous>, transform_indices = @transform_3, window_bounds = array<i64: 2048, 1024>}, {transform_indices = @transform_4, window_bounds = array<i64: 512, 2048>}]} {
    %eq3A = arith.constant 0 : i32
    %eq3A_0 = arith.cmpi eq, %arg0, %eq3A : i32
    %convert_element_type3A = arith.extui %eq3A_0 : i1 to i32
    %cond3A = arith.constant 0 : i32
    %cond3A_1 = arith.cmpi ne, %convert_element_type3A, %cond3A : i32
    scf.if %cond3A_1 {
      %get3A_34 = arith.constant 0 : index
      %get3A_35 = arith.constant 0 : index
      %get3A_36 = vector.load %arg4[%get3A_34, %get3A_35] : memref<2048x1024xf32, #tpu.memory_space<vmem>>, vector<2048x1024xf32>
      %convert_element_type3A_37 = arith.truncf %get3A_36 : vector<2048x1024xf32> to vector<2048x1024xbf16>
      %swap3A_38 = arith.constant 0 : index
      %swap3A_39 = arith.constant 0 : index
      %swap3A_40 = vector.load %arg6[%swap3A_38, %swap3A_39] : memref<2048x1024xbf16, #tpu.memory_space<vmem>>, vector<2048x1024xbf16>
      tpu.vector_store %arg6[%swap3A_38, %swap3A_39], %convert_element_type3A_37 {strides = array<i32>} : memref<2048x1024xbf16, #tpu.memory_space<vmem>>, vector<2048x1024xbf16>,
    } else {
    }
    %get3A = arith.constant 0 : index
    %get3A_2 = arith.constant 0 : index
    %get3A_3 = vector.load %arg2[%get3A, %get3A_2] : memref<512x128xf32, #tpu.memory_space<vmem>>, vector<512x128xf32>
    %get3A_4 = arith.constant 0 : index
    %get3A_5 = arith.constant 0 : index
    %get3A_6 = vector.load %arg3[%get3A_4, %get3A_5] : memref<128x1024xf32, #tpu.memory_space<vmem>>, vector<128x1024xf32>
    %dot_general3A = arith.constant dense<0.000000e+00> : vector<512x1024xf32>
    %dot_general3A_7 = tpu.matmul %get3A_3, %get3A_6, %dot_general3A {dimension_numbers = #tpu.dot_dimension_numbers<[1], [0], [0], [1], [0, 0, 1, 1], [], []>, transpose_lhs_hint = false} : vector<512x128xf32>, vector<128x1024xf32>, vector<512x1024xf32> -> vector<512x1024xf32>
    %get3A_8 = arith.constant 0 : index
    %get3A_9 = arith.constant 0 : index
    %get3A_10 = vector.load %arg1[%get3A_8, %get3A_9] : memref<512x512xi32, #tpu.memory_space<vmem>>, vector<512x512xi32>
    %shift_left3A = arith.constant 16 : i32
    %shift_left3A_11 = vector.broadcast %shift_left3A : i32 to vector<512x512xi32>
    %shift_left3A_12 = arith.shli %get3A_10, %shift_left3A_11 : vector<512x512xi32>
    %bitcast_convert_type3A = tpu.bitcast %shift_left3A_12 : vector<512x512xi32> -> vector<512x512xf32>
    %and3A = arith.constant -65536 : i32
    %and3A_13 = vector.broadcast %and3A : i32 to vector<512x512xi32>
    %and3A_14 = arith.andi %get3A_10, %and3A_13 : vector<512x512xi32>
    %bitcast_convert_type3A_15 = tpu.bitcast %and3A_14 : vector<512x512xi32> -> vector<512x512xf32>
    %slice3A = vector.extract_strided_slice %dot_general3A_7 {offsets = [0, 0], sizes = [512, 512], strides = [1, 1]} : vector<512x1024xf32> to vector<512x512xf32>
    %add3A = arith.addf %bitcast_convert_type3A, %slice3A : vector<512x512xf32>
    %convert_element_type3A_16 = arith.truncf %add3A : vector<512x512xf32> to vector<512x512xbf16>
    %slice3A_17 = vector.extract_strided_slice %dot_general3A_7 {offsets = [0, 512], sizes = [512, 512], strides = [1, 1]} : vector<512x1024xf32> to vector<512x512xf32>
    %add3A_18 = arith.addf %bitcast_convert_type3A_15, %slice3A_17 : vector<512x512xf32>
    %convert_element_type3A_19 = arith.truncf %add3A_18 : vector<512x512xf32> to vector<512x512xbf16>
    %get3A_20 = arith.constant 0 : index
    %get3A_21 = arith.constant 0 : index
    %get3A_22 = vector.load %arg6[%get3A_20, %get3A_21] : memref<2048x1024xbf16, #tpu.memory_space<vmem>>, vector<2048x1024xbf16>
    %slice3A_23 = vector.extract_strided_slice %get3A_22 {offsets = [0, 0], sizes = [2048, 512], strides = [1, 1]} : vector<2048x1024xbf16> to vector<2048x512xbf16>
    %dot_general3A_24 = arith.constant dense<0.000000e+00> : vector<512x2048xf32>
    %dot_general3A_25 = tpu.matmul %convert_element_type3A_16, %slice3A_23, %dot_general3A_24 {dimension_numbers = #tpu.dot_dimension_numbers<[1], [1], [0], [0], [0, 0, 1, 0], [], []>, transpose_lhs_hint = false} : vector<512x512xbf16>, vector<2048x512xbf16>, vector<512x2048xf32> -> vector<512x2048xf32>
    %slice3A_26 = vector.extract_strided_slice %get3A_22 {offsets = [0, 512], sizes = [2048, 512], strides = [1, 1]} : vector<2048x1024xbf16> to vector<2048x512xbf16>
    %dot_general3A_27 = arith.constant dense<0.000000e+00> : vector<512x2048xf32>
    %dot_general3A_28 = tpu.matmul %convert_element_type3A_19, %slice3A_26, %dot_general3A_27 {dimension_numbers = #tpu.dot_dimension_numbers<[1], [1], [0], [0], [0, 0, 1, 0], [], []>, transpose_lhs_hint = false} : vector<512x512xbf16>, vector<2048x512xbf16>, vector<512x2048xf32> -> vector<512x2048xf32>
    %add3A_29 = arith.addf %dot_general3A_25, %dot_general3A_28 : vector<512x2048xf32>
    %mul3A = arith.constant 45.2548332 : f32
    %mul3A_30 = vector.broadcast %mul3A : f32 to vector<512x2048xf32>
    %mul3A_31 = arith.mulf %add3A_29, %mul3A_30 : vector<512x2048xf32>
    %swap3A = arith.constant 0 : index
    %swap3A_32 = arith.constant 0 : index
    %swap3A_33 = vector.load %arg5[%swap3A, %swap3A_32] : memref<512x2048xf32, #tpu.memory_space<vmem>>, vector<512x2048xf32>
    tpu.vector_store %arg5[%swap3A, %swap3A_32], %mul3A_31 {strides = array<i32>} : memref<512x2048xf32, #tpu.memory_space<vmem>>, vector<512x2048xf32>,
    return
  }
  func.func @transform_0(%arg0: i32) -> (i32, i32) {
    %c0_i32 = arith.constant 0 : i32
    %c0_i32_0 = arith.constant 0 : i32
    return %arg0, %c0_i32 : i32, i32
  }
  func.func @transform_1(%arg0: i32) -> (i32, i32) {
    %c0_i32 = arith.constant 0 : i32
    %c0_i32_0 = arith.constant 0 : i32
    return %arg0, %c0_i32 : i32, i32
  }
  func.func @transform_2(%arg0: i32) -> (i32, i32) {
    %c0_i32 = arith.constant 0 : i32
    %c0_i32_0 = arith.constant 0 : i32
    %c0_i32_1 = arith.constant 0 : i32
    return %c0_i32, %c0_i32_0 : i32, i32
  }
  func.func @transform_3(%arg0: i32) -> (i32, i32) {
    %c0_i32 = arith.constant 0 : i32
    %c0_i32_0 = arith.constant 0 : i32
    %c0_i32_1 = arith.constant 0 : i32
    return %c0_i32, %c0_i32_0 : i32, i32
  }
  func.func @transform_4(%arg0: i32) -> (i32, i32) {
    %c0_i32 = arith.constant 0 : i32
    %c0_i32_0 = arith.constant 0 : i32
    return %arg0, %c0_i32 : i32, i32
  }
}

</mosaic_0001>

<sc_bundles>
// kernel: kernel.4.cloned.1.call-start
scs
__scs_entry_jumppad:
0x0: {  	(pc) =	sbr.rel $0x88, $3  }
0x1: {  	(tag) =	ssettag $0x0;
	lr =	simm.s32 $0x1  }
0x2: {  	[smem:$0x3F9C] =	sst lr;
	_ =	strace $0xD0000000  }
0x3: {  	_ = 	snop  }
0x4: {  	_ = 	snop  }
0x5: {  	_ = 	snop  }
0x6: {  	_ = 	snop  }
0x7: {  	_ = 	snop  }
__scs_overlays_trampoline_lowered:
0x8: {  	[smem:$0x3FAB] =	sst s0  }
0x9: {  	[smem:$0x3FAC] =	sst s1  }
0xa: {  	[smem:$0x3FAD] =	sst s2  }
0xb: {  	[smem:$0x3FAE] =	sst s3  }
0xc: {  	[smem:$0x3FAF] =	sst s4  }
0xd: {  	[smem:$0x3FB0] =	sst s5  }
0xe: {  	[smem:$0x3FB1] =	sst s6  }
0xf: {  	[smem:$0x3FB2] =	sst s7  }
0x10: {  	[smem:$0x3FB3] =	sst s8  }
0x11: {  	[smem:$0x3FB4] =	sst s9;
	s0 =	simm.s32 @!p0 $0x0  }
0x12: {  	s1 =	sld [smem:$0x3F9A];
	s0 =	simm.s32 @p0 $0x1  }
0x13: {  	[smem:$0x3FB5] =	sst s0;
	s0 =	simm.s32 @!p1 $0x0  }
0x14: {  	s2 =	sld [smem:$0x3F99];
	s0 =	simm.s32 @p1 $0x1  }
0x15: {  	[smem:$0x3FB6] =	sst s0;
	s0 =	simm.s32 @!p2 $0x0  }
0x16: {  	s3 =	sld [smem:$0x3FDB];
	s0 =	simm.s32 @p2 $0x1  }
0x17: {  	s4 =	simm.s32 $0x1BF5;
	[smem:$0x3FB8] =	sst s0  }
0x18: {  	s0 =	sld [smem:$0x3F9B];
	_ =	swait.ge [sflag:s4], $0x0  }
0x19: {  	s7 =	sld [smem:$0x3F9C]  }
0x1a: {  	s8 =	sadd.s32 $0xFFFFE003, lr  }
0x1b: {  	s9 =	sadd.s32 $0xFFFFFEF7, lr;
	s5 =	simm.s32 $0xFFFFFFFF;
	p2 =	slt.u32 s8, $0xFFFFF086  }
0x1c: {  	p1 =	slt.u32 s9, $0xF7A;
	s5 =	simm.s32 @!p2 $0x0  }
0x1d: {  	s5 =	simm.s32 @p1 $0x1;
	p0 =	seq.s32 s7, s2  }
0x1e: {  	s7 =	smul.u32 @!p0 $0xF7A, s2;
	p2 =	seq.s32 @!p0 s5, $0x0  }
0x1f: {  	s9 =	smul.u32 $0xF7A, s1;
	s8 =	simm.s32 @!p0 $0x1BF5;
	p2 =	por !p2, p0  }
0x20: {  	[sflag:s8] =	ssyncset.s32 @!p0 $0xFFFFF086;
	s6 =	sadd.s32 @!p0 s3, s7;
	s7 =	simm.s32 @!p0 $0x108  }
0x21: {  	s3 =	sadd.s32 s3, s9;
	s6 =	sadd.s32 @!p0 $0x88, s6;
	s7 =	simm.s32 @p2 $0x1082  }
0x22: {  	[simem:s7], [sflag:s8] =	dma.local @!p0 [hbm:s6], $0xF7A  }
0x23: {  	s9 =	sor.u32 $0xD0000000, s2;
	s6 =	simm.s32 $0x108;
	_ =	swait.ge @!p0 [sflag:s8], $0x0  }
0x24: {  	s3 =	sadd.s32 $0x88, s3;
	s6 =	simm.s32 @!p1 $0x1082;
	[sflag:s4] =	ssyncset.s32 $0xFFFFF086  }
0x25: {  	[simem:s6], [sflag:s4] =	dma.local [hbm:s3], $0xF7A  }
0x26: {  	[smem:$0x3F9C] =	sst s1;
	(tag) =	ssettag s2;
	_ =	strace s9  }
0x27: {  	s1 =	sld [smem:$0x3FAC]  }
0x28: {  	s2 =	sld [smem:$0x3FAD]  }
0x29: {  	s4 =	sld [smem:$0x3FAF]  }
0x2a: {  	p0 =	seq.s32 s5, $0x0;
	s5 =	sld [smem:$0x3FB0]  }
0x2b: {  	s6 =	sld [smem:$0x3FB1]  }
0x2c: {  	s7 =	sld [smem:$0x3FB2]  }
0x2d: {  	s3 =	simm.s32 $0x108;
	s8 =	sld [smem:$0x3FB3]  }
0x2e: {  	s3 =	simm.s32 @!p0 $0x1082;
	s9 =	sld [smem:$0x3FB4]  }
0x2f: {  	lr =	sadd.s32 s0, s3;
	s0 =	sld [smem:$0x3FAB]  }
0x30: {  	s3 =	sld [smem:$0x3FAE]  }
0x31: {  	[smem:$0x3FB7] =	sst s10  }
0x32: {  	s10 =	sld [smem:$0x3FB5];
	_ =	sdelay $0x3  }
0x33: {  	p0 =	seq.s32 s10, $0x1;
	s10 =	sld [smem:$0x3FB7];
	_ =	sdelay $0x3  }
0x34: {  	[smem:$0x3FB7] =	sst s10  }
0x35: {  	s10 =	sld [smem:$0x3FB6];
	_ =	sdelay $0x3  }
0x36: {  	p1 =	seq.s32 s10, $0x1;
	s10 =	sld [smem:$0x3FB7];
	_ =	sdelay $0x3  }
0x37: {  	[smem:$0x3FB7] =	sst s10  }
0x38: {  	s10 =	sld [smem:$0x3FB8]  }
0x39: {  	_ = 	snop;
	(pc) =	sbr.ind lr, $3  }
0x3a: {  	_ = 	snop  }
0x3b: {  	_ = 	snop  }
0x3c: {  	p2 =	seq.s32 s10, $0x1;
	s10 =	sld [smem:$0x3FB7]  }
0x3d: {  	_ =	shalt  }
0x3e: {  	_ =	shalt  }
0x3f: {  	_ =	shalt  }
0x40: {  	_ =	shalt  }
0x41: {  	_ =	shalt  }
0x42: {  	_ =	shalt  }
0x43: {  	_ =	shalt  }
0x44: {  	_ =	shalt  }
0x45: {  	_ =	shalt  }
0x46: {  	_ =	shalt  }
0x47: {  	_ =	shalt  }
0x48: {  	_ =	shalt  }
0x49: {  	_ =	shalt  }
0x4a: {  	_ =	shalt  }
0x4b: {  	_ =	shalt  }
0x4c: {  	_ =	shalt  }
0x4d: {  	_ =	shalt  }
0x4e: {  	_ =	shalt  }
0x4f: {  	_ =	shalt  }
0x50: {  	_ =	shalt  }
0x51: {  	_ =	shalt  }
0x52: {  	_ =	shalt  }
0x53: {  	_ =	shalt  }
0x54: {  	_ =	shalt  }
0x55: {  	_ =	shalt  }
0x56: {  	_ =	shalt  }
0x57: {  	_ =	shalt  }
0x58: {  	_ =	shalt  }
0x59: {  	_ =	shalt  }
0x5a: {  	_ =	shalt  }
0x5b: {  	_ =	shalt  }
0x5c: {  	_ =	shalt  }
0x5d: {  	_ =	shalt  }
0x5e: {  	_ =	shalt  }
0x5f: {  	_ =	shalt  }
0x60: {  	_ =	shalt  }
0x61: {  	_ =	shalt  }
0x62: {  	_ =	shalt  }
0x63: {  	_ =	shalt  }
0x64: {  	_ =	shalt  }
0x65: {  	_ =	shalt  }
0x66: {  	_ =	shalt  }
0x67: {  	_ =	shalt  }
0x68: {  	_ =	shalt  }
0x69: {  	_ =	shalt  }
0x6a: {  	_ =	shalt  }
0x6b: {  	_ =	shalt  }
0x6c: {  	_ =	shalt  }
0x6d: {  	_ =	shalt  }
0x6e: {  	_ =	shalt  }
0x6f: {  	_ =	shalt  }
0x70: {  	_ =	shalt  }
0x71: {  	_ =	shalt  }
0x72: {  	_ =	shalt  }
0x73: {  	_ =	shalt  }
0x74: {  	_ =	shalt  }
0x75: {  	_ =	shalt  }
0x76: {  	_ =	shalt  }
0x77: {  	_ =	shalt  }
0x78: {  	_ =	shalt  }
0x79: {  	_ =	shalt  }
0x7a: {  	_ =	shalt  }
0x7b: {  	_ =	shalt  }
0x7c: {  	_ =	shalt  }
0x7d: {  	_ =	shalt  }
0x7e: {  	_ =	shalt  }
0x7f: {  	_ =	shalt  }
0x80: {  	_ =	shalt  }
0x81: {  	_ =	shalt  }
0x82: {  	_ =	shalt  }
0x83: {  	_ =	shalt  }
0x84: {  	_ =	shalt  }
0x85: {  	_ =	shalt  }
0x86: {  	_ =	shalt  }
0x87: {  	_ =	shalt  }
.Lfunc_end0:
.L_simem_size_0:
called_computation_lowered:
.L_overlay_start_0:
0x88: {  	s2 =	sld [smem:$0x3FD9]  }
0x89: {  	s3 =	sld [smem:$0x3FFE];
	_ =	sdelay $0x1  }
0x8a: {  	s1 =	srdreg.scid  }
0x8b: {  	s0 =	sand.u32 $0x1, s1  }
0x8c: {  	s17 =	sshll.u32 s0, $0xA;
	s2 =	sadd.s32 s3, s2  }
0x8d: {  	s2 =	sadd.s32 s2, s17  }
0x8e: {  	[smem:$0x3FC3] =	sst s2  }
0x8f: {  	_ = 	snop  }
0x90: {  	s2 =	sld [smem:$0x3FC7]  }
0x91: {  	s18 =	sld [smem:$0x3FD0];
	(tm) =	ssettm $0x1  }
0x92: {  	s4 =	sld [smem:$0x3FFB];
	_ =	sdelay $0x3  }
0x93: {  	_ =	strace s4  }
0x94: {  	s4 =	sld [smem:$0x3FFC];
	_ =	sdelay $0x3  }
0x95: {  	_ =	strace s4  }
0x96: {  	s4 =	sld [smem:$0x3FFD];
	_ =	sdelay $0x3  }
0x97: {  	_ =	strace s4  }
0x98: {  	_ =	strace $0x8FFFFFFF  }
0x99: {  	s19 =	sld [smem:$0x3FDB];
	_ =	sdelay $0x1  }
0x9a: {  	s5 =	simm.s32 $_scs_section_size  }
0x9b: {  	s6 =	simm.s32 $_size__tile_overlayer_lowered;
	s7 =	simm.s32 $_tile_overlayer_lowered  }
0x9c: {  	s22 =	simm.s32 $0x1BFF;
	s21 =	sshll.u32 s7, $0x1;
	s4 =	sadd.s32 s5, s19  }
0x9d: {  	s8 =	simm.s32 $0x0;
	s20 =	sshll.u32 s6, $0x1;
	s6 =	sadd.s32 s21, s4  }
0x9e: {  	[timem:s8], [sflag:s22] =	dma.local [hbm:s6], s20  }
0x9f: {  	_ =	swait.ge [sflag:s22], s20  }
0xa0: {  	s5 =	ssub.s32 $0x0, s20;
	[sflag:s22] =	ssyncset.done $0x0  }
0xa1: {  	[sflag:s22] =	ssyncadd.s32 s5;
	_ =	sdelay $0x1  }
0xa2: {  	s23 =	simm.s32 $0x1B8B  }
0xa3: {  	_ =	swait.ge [sflag:s23], $0x1  }
0xa4: {  	[sflag:s23] =	ssyncset.done $0x0  }
0xa5: {  	s25 =	simm.s32 $0x1B8E;
	s24 =	sld [smem:$0x3FFE];
	[sflag:s23] =	ssyncadd.s32 $0xFFFFFFFF  }
0xa6: {  	s26 =	simm.s32 $execute0_lowered;
	[smem:$0x3FD2] =	sst s25  }
0xa7: {  	s6 =	sshll.u32 s26, $0x1;
	_ =	strace $0x80000046;
	[dreg:$0x1] =	wrdreg $0xFFFFFFFF  }
0xa8: {  	s28 =	simm.s32 $_size_execute0_lowered;
	s4 =	sadd.s32 s4, s6;
	[dreg:$0x0] =	wrdreg $0x0  }
0xa9: {  	s6 =	sshll.u32 s28, $0x1;
	[dreg:$0x2] =	wrdreg s4  }
0xaa: {  	[dreg:$0x3] =	wrdreg s6  }
0xab: {  	[dreg:$0x4] =	wrdreg $0xC0  }
0xac: {  	_ =	task [dreg:s8], $0x5FFFF  }
0xad: {  	[dreg:$0x1] =	wrdreg $0xFFFFFFFF  }
0xae: {  	[dreg:$0x0] =	wrdreg $0x60  }
0xaf: {  	[dreg:$0x2] =	wrdreg s2  }
0xb0: {  	[dreg:$0x3] =	wrdreg s24  }
0xb1: {  	[dreg:$0x4] =	wrdreg s18  }
0xb2: {  	[dreg:$0x5] =	wrdreg $0x9  }
0xb3: {  	_ =	task.clear_ibuf [dreg:s8], $0x6FFFF;
	_ =	strace $0x90000046  }
0xb4: {  	s29 =	simm.s32 $0x9;
	_ =	strace $0x80000048  }
0xb5: {  	_ =	swait.ge [sflag:s29], $0x1  }
0xb6: {  	[sflag:s29] =	ssyncadd.s32 $0xFFFFFFFF  }
0xb7: {  	_ =	strace $0x90000048  }
0xb8: {  	_ =	sfence  }
0xb9: {  	s30 =	sld [smem:$0x0];
	_ =	sdelay $0x2  }
0xba: {  	s31 =	sshll.u32 s1, $0xD;
	s1 =	sshrl.u32 s1, $0x2  }
0xbb: {  	s3 =	sand.u32 $0x4000, s31;
	s1 =	sadd.s32 s1, s30  }
0xbc: {  	s0 =	sor.u32 s3, s0;
	s1 =	sshll.u32 s1, $0x11  }
0xbd: {  	s0 =	sor.u32 s1, s0  }
0xbe: {  	s0 =	sadd.s32 $0x8F2B, s0  }
0xbf: {  	[sflag:s0] =	ssyncadd.remote.s32 $0x1  }
0xc0: {  	_ =	sfence.sel $0xFFFF  }
0xc1: {  	[dreg:$0x0] =	wrdreg $0xFFFFFFFF;
	(pc) =	sbr.abs _section_cstart, $3  }
0xc2: {  	[dreg:$0x1] =	wrdreg $0xFFFFFFFF  }
0xc3: {  	_ =	task.clear_ibuf [dreg:s8], $0x2FFFF;
	_ =	strace $0x9FFFFFFF  }
0xc4: {  	(tm) =	ssettm $0x7FFFFFFF  }
0xc5: {  	_ =	shalt  }
tec
execute0_lowered:
.L_overlay_start_1:
0x0: {  	(tag) =	ssettag $0x1  }
0x1: {  	s2 =	rddreg [dreg:$0x0]  }
0x2: {  	s0 =	rddreg [dreg:$0x1]  }
0x3: {  	s1 =	rddreg [dreg:$0x2]  }
0x4: {  	s3 =	srdreg.scid;
	s5 =	stileid.u32;
	s9 =	simm.s32 $0x1  }
0x5: {  	s16 =	simm.s32 $0xB100;
	s8 =	simm.s32 $0xB900;
	s17 =	simm.s32 $0xC100  }
0x6: {  	s18 =	simm.s32 $0xC900;
	s4 =	sand.u32 $0x1, s3;
	s5 =	sshll.u32 s5, $0x1  }
0x7: {  	s19 =	simm.s32 $0xD100;
	s28 =	simm.s32 $0x14100;
	s6 =	sor.u32 s4, s5  }
0x8: {  	s3 =	simm.s32 $0x0;
	s4 =	ssub.s32 $0x2, s4;
	s5 =	sshll.u32 s6, $0x5  }
0x9: {  	[smem:$0x7FF] =	sst s3;
	s7 =	sshrl.u32 s4, $0x1;
	s0 =	sadd.s32 s5, s0  }
0xa: {  	_ =	strace $0x80000047;
	s4 =	ssub.s32 s4, s7;
	s0 =	sadd.s32 $0xA00, s0  }
0xb: {  	s20 =	sshll.u32 s6, $0xE;
	s26 =	smax.u32 s4, $0x1;
	[dreg:$0x4] =	wrdreg s0  }
0xc: {  	s29 =	simm.s32 $0x3;
	s0 =	sadd.s32 s1, s20;
	[dreg:$0xd] =	wrdreg s26  }
0xd: {  	s30 =	simm.s32 $0x4;
	s1 =	sadd.s32 $0x800, s0;
	[dreg:$0x5] =	wrdreg s0  }
0xe: {  	s31 =	simm.s32 $0x0;
	s21 =	sadd.s32 $0x1000, s0;
	[dreg:$0x6] =	wrdreg s1  }
0xf: {  	s6 =	sadd.s32 $0x200, s2;
	s22 =	sadd.s32 $0x1800, s0;
	[dreg:$0x7] =	wrdreg s21  }
0x10: {  	s5 =	sadd.s32 $0x100, s2;
	s23 =	sadd.s32 $0x2000, s0;
	[dreg:$0x8] =	wrdreg s22  }
0x11: {  	s7 =	sadd.s32 $0x300, s2;
	s24 =	sadd.s32 $0x2800, s0;
	[dreg:$0x9] =	wrdreg s23  }
0x12: {  	s20 =	simm.s32 $0xD900;
	s25 =	sadd.s32 $0x3000, s0;
	[dreg:$0xa] =	wrdreg s24  }
0x13: {  	v2 =	vlaneseq.u32;
	s26 =	simm.s32 $0x2;
	s0 =	sadd.s32 $0x3800, s0;
	[dreg:$0xb] =	wrdreg s25  }
0x14: {  	vm0 =	vmmov $0xffff;
	v1 =	vshrl.u32 v2, $0x3;
	[dreg:$0xc] =	wrdreg s0;
	s21 =	simm.s32 $0xE100;
	s22 =	simm.s32 $0xE900  }
0x15: {  	v0 =	vand.u32 $0x7, v2;
	v2 =	vor.u32 $0x8, v2;
	v1 =	vmul.u32 $0x8, v1;
	s23 =	simm.s32 $0xF100;
	s24 =	simm.s32 $0xF900;
	s25 =	simm.s32 $0x10100  }
.LBB2_1:
0x16: {  	s0 =	rddreg [dreg:$0x4];
	s14 =	simm.s32 $0x5  }
0x17: {  	[tilespmem:s3], [sflag:$0x5] =	stream.linear.gather [hbm4b:s0+s3], $0x100, $0x38;
	[tilespmem:$0x18100] =	vst v63  }
0x18: {  	_ =	swait.ge [sflag:s14], $0x100  }
0x19: {  	[sflag:s14] =	ssyncset.done $0x0  }
0x1a: {  	[sflag:s14] =	ssyncadd.s32 $0xFFFFFF00  }
0x1b: {  	v3 =	vld [tilespmem:$0x0];
	_ =	sdelay $0x4  }
0x1c: {  	v4 =	vshll.u32 v3, $0x3  }
0x1d: {  	v3 =	vand.u32 $0x7, v3;
	v4 =	vand.u32 $0xFFFFFFC0, v4  }
0x1e: {  	v3 =	vor.u32 v3, v4  }
0x1f: {  	v4 =	vperm.xlane v3, v0;
	_ =	sdelay $0x1  }
0x20: {  	v4 =	vadd.s32 v1, v4;
	_ =	sdelay $0x3  }
0x21: {  	s15 =	simm.s32 $0x100  }
0x22: {  	[tilespmem:s15], [sflag:$0x1] =	stream.indirect_vreg.gather [hbm4b:s2+s3], $0x80, v4, vm0, $0xb8;
	[tilespmem:$0x18100] =	vst v63  }
0x23: {  	s1 =	simm.s32 $0x900;
	v3 =	vperm.xlane v3, v2  }
0x24: {  	[tilespmem:s1], [sflag:$0x1] =	stream.indirect_vreg.gather [hbm4b:s5+s3], $0x80, v4, vm0, $0xb8;
	[tilespmem:$0x18100] =	vst v63  }
0x25: {  	s4 =	simm.s32 $0x1100;
	v3 =	vadd.s32 v1, v3  }
0x26: {  	[tilespmem:s4], [sflag:$0x1] =	stream.indirect_vreg.gather [hbm4b:s6+s3], $0x80, v4, vm0, $0xb8;
	[tilespmem:$0x18100] =	vst v63  }
0x27: {  	s10 =	simm.s32 $0x1900  }
0x28: {  	[tilespmem:s10], [sflag:$0x1] =	stream.indirect_vreg.gather [hbm4b:s7+s3], $0x80, v4, vm0, $0xb8;
	[tilespmem:$0x18100] =	vst v63  }
0x29: {  	s11 =	simm.s32 $0x2100  }
0x2a: {  	[tilespmem:s11], [sflag:$0x1] =	stream.indirect_vreg.gather [hbm4b:s2+s3], $0x80, v3, vm0, $0xb8;
	[tilespmem:$0x18100] =	vst v63  }
0x2b: {  	s12 =	simm.s32 $0x2900  }
0x2c: {  	[tilespmem:s12], [sflag:$0x1] =	stream.indirect_vreg.gather [hbm4b:s5+s3], $0x80, v3, vm0, $0xb8;
	[tilespmem:$0x18100] =	vst v63  }
0x2d: {  	s13 =	simm.s32 $0x3100  }
0x2e: {  	[tilespmem:s13], [sflag:$0x1] =	stream.indirect_vreg.gather [hbm4b:s6+s3], $0x80, v3, vm0, $0xb8;
	[tilespmem:$0x18100] =	vst v63  }
0x2f: {  	s14 =	simm.s32 $0x3900  }
0x30: {  	[tilespmem:s14], [sflag:$0x1] =	stream.indirect_vreg.gather [hbm4b:s7+s3], $0x80, v3, vm0, $0xb8;
	[tilespmem:$0x18100] =	vst v63  }
0x31: {  	v3 =	vld [tilespmem:$0x10];
	_ =	sdelay $0x4  }
0x32: {  	v4 =	vshll.u32 v3, $0x3  }
0x33: {  	v3 =	vand.u32 $0x7, v3;
	v4 =	vand.u32 $0xFFFFFFC0, v4  }
0x34: {  	v3 =	vor.u32 v3, v4  }
0x35: {  	v4 =	vperm.xlane v3, v0;
	_ =	sdelay $0x1  }
0x36: {  	v4 =	vadd.s32 v1, v4;
	_ =	sdelay $0x3  }
0x37: {  	s15 =	simm.s32 $0x4100  }
0x38: {  	[tilespmem:s15], [sflag:$0x1] =	stream.indirect_vreg.gather [hbm4b:s2+s3], $0x80, v4, vm0, $0xb8;
	[tilespmem:$0x18100] =	vst v63  }
0x39: {  	s1 =	simm.s32 $0x4900;
	v3 =	vperm.xlane v3, v2  }
0x3a: {  	[tilespmem:s1], [sflag:$0x1] =	stream.indirect_vreg.gather [hbm4b:s5+s3], $0x80, v4, vm0, $0xb8;
	[tilespmem:$0x18100] =	vst v63  }
0x3b: {  	s4 =	simm.s32 $0x5100;
	v3 =	vadd.s32 v1, v3  }
0x3c: {  	[tilespmem:s4], [sflag:$0x1] =	stream.indirect_vreg.gather [hbm4b:s6+s3], $0x80, v4, vm0, $0xb8;
	[tilespmem:$0x18100] =	vst v63  }
0x3d: {  	s10 =	simm.s32 $0x5900  }
0x3e: {  	[tilespmem:s10], [sflag:$0x1] =	stream.indirect_vreg.gather [hbm4b:s7+s3], $0x80, v4, vm0, $0xb8;
	[tilespmem:$0x18100] =	vst v63  }
0x3f: {  	s11 =	simm.s32 $0x6100  }
0x40: {  	[tilespmem:s11], [sflag:$0x1] =	stream.indirect_vreg.gather [hbm4b:s2+s3], $0x80, v3, vm0, $0xb8;
	[tilespmem:$0x18100] =	vst v63  }
0x41: {  	s12 =	simm.s32 $0x6900  }
0x42: {  	[tilespmem:s12], [sflag:$0x1] =	stream.indirect_vreg.gather [hbm4b:s5+s3], $0x80, v3, vm0, $0xb8;
	[tilespmem:$0x18100] =	vst v63  }
0x43: {  	s13 =	simm.s32 $0x7100  }
0x44: {  	[tilespmem:s13], [sflag:$0x1] =	stream.indirect_vreg.gather [hbm4b:s6+s3], $0x80, v3, vm0, $0xb8;
	[tilespmem:$0x18100] =	vst v63  }
0x45: {  	s14 =	simm.s32 $0x7900  }
0x46: {  	[tilespmem:s14], [sflag:$0x1] =	stream.indirect_vreg.gather [hbm4b:s7+s3], $0x80, v3, vm0, $0xb8;
	[tilespmem:$0x18100] =	vst v63  }
0x47: {  	_ =	swait.ge [sflag:s9], $0x8000  }
0x48: {  	[sflag:s9] =	ssyncset.done $0x0  }
0x49: {  	[sflag:s9] =	ssyncadd.s32 $0xFFFF8000  }
0x4a: {  	v3 =	vld [tilespmem:$0x20];
	_ =	sdelay $0x4  }
0x4b: {  	v4 =	vshll.u32 v3, $0x3  }
0x4c: {  	v3 =	vand.u32 $0x7, v3;
	v4 =	vand.u32 $0xFFFFFFC0, v4  }
0x4d: {  	v3 =	vor.u32 v3, v4  }
0x4e: {  	v4 =	vperm.xlane v3, v0;
	_ =	sdelay $0x1  }
0x4f: {  	v4 =	vadd.s32 v1, v4;
	_ =	sdelay $0x3  }
0x50: {  	s15 =	simm.s32 $0x8100  }
0x51: {  	[tilespmem:s15], [sflag:$0x2] =	stream.indirect_vreg.gather [hbm4b:s2+s3], $0x80, v4, vm0, $0xb8;
	[tilespmem:$0x18100] =	vst v63  }
0x52: {  	s1 =	simm.s32 $0x8900;
	v3 =	vperm.xlane v3, v2  }
0x53: {  	[tilespmem:s1], [sflag:$0x2] =	stream.indirect_vreg.gather [hbm4b:s5+s3], $0x80, v4, vm0, $0xb8;
	[tilespmem:$0x18100] =	vst v63  }
0x54: {  	s4 =	simm.s32 $0x9100;
	v3 =	vadd.s32 v1, v3  }
0x55: {  	[tilespmem:s4], [sflag:$0x2] =	stream.indirect_vreg.gather [hbm4b:s6+s3], $0x80, v4, vm0, $0xb8;
	[tilespmem:$0x18100] =	vst v63  }
0x56: {  	s10 =	simm.s32 $0x9900  }
0x57: {  	[tilespmem:s10], [sflag:$0x2] =	stream.indirect_vreg.gather [hbm4b:s7+s3], $0x80, v4, vm0, $0xb8;
	[tilespmem:$0x18100] =	vst v63  }
0x58: {  	s11 =	simm.s32 $0xA100  }
0x59: {  	[tilespmem:s11], [sflag:$0x2] =	stream.indirect_vreg.gather [hbm4b:s2+s3], $0x80, v3, vm0, $0xb8;
	[tilespmem:$0x18100] =	vst v63  }
0x5a: {  	s12 =	simm.s32 $0xA900  }
0x5b: {  	[tilespmem:s12], [sflag:$0x2] =	stream.indirect_vreg.gather [hbm4b:s5+s3], $0x80, v3, vm0, $0xb8;
	[tilespmem:$0x18100] =	vst v63  }
0x5c: {  	_ = 	snop  }
0x5d: {  	[tilespmem:s16], [sflag:$0x2] =	stream.indirect_vreg.gather [hbm4b:s6+s3], $0x80, v3, vm0, $0xb8;
	[tilespmem:$0x18100] =	vst v63  }
0x5e: {  	_ = 	snop  }
0x5f: {  	[tilespmem:s8], [sflag:$0x2] =	stream.indirect_vreg.gather [hbm4b:s7+s3], $0x80, v3, vm0, $0xb8;
	[tilespmem:$0x18100] =	vst v63  }
0x60: {  	v3 =	vld [tilespmem:$0x30];
	_ =	sdelay $0x4  }
0x61: {  	v4 =	vshll.u32 v3, $0x3  }
0x62: {  	v3 =	vand.u32 $0x7, v3;
	v4 =	vand.u32 $0xFFFFFFC0, v4  }
0x63: {  	v3 =	vor.u32 v3, v4  }
0x64: {  	v4 =	vperm.xlane v3, v0;
	_ =	sdelay $0x1  }
0x65: {  	v4 =	vadd.s32 v1, v4;
	_ =	sdelay $0x4  }
0x66: {  	[tilespmem:s17], [sflag:$0x2] =	stream.indirect_vreg.gather [hbm4b:s2+s3], $0x80, v4, vm0, $0xb8;
	[tilespmem:$0x18100] =	vst v63  }
0x67: {  	v3 =	vperm.xlane v3, v2  }
0x68: {  	[tilespmem:s18], [sflag:$0x2] =	stream.indirect_vreg.gather [hbm4b:s5+s3], $0x80, v4, vm0, $0xb8;
	[tilespmem:$0x18100] =	vst v63  }
0x69: {  	v3 =	vadd.s32 v1, v3  }
0x6a: {  	[tilespmem:s19], [sflag:$0x2] =	stream.indirect_vreg.gather [hbm4b:s6+s3], $0x80, v4, vm0, $0xb8;
	[tilespmem:$0x18100] =	vst v63  }
0x6b: {  	s13 =	simm.s32 $0x0  }
0x6c: {  	[tilespmem:s20], [sflag:$0x2] =	stream.indirect_vreg.gather [hbm4b:s7+s3], $0x80, v4, vm0, $0xb8;
	[tilespmem:$0x18100] =	vst v63  }
0x6d: {  	s0 =	sand.u32 $0x6000, s13  }
0x6e: {  	[tilespmem:s21], [sflag:$0x2] =	stream.indirect_vreg.gather [hbm4b:s2+s3], $0x80, v3, vm0, $0xb8;
	[tilespmem:$0x18100] =	vst v63  }
0x6f: {  	s0 =	sor.u32 $0x100, s0;
	s1 =	simm.s32 $0x0;
	s4 =	sand.u32 $0xC00, s3  }
0x70: {  	[tilespmem:s22], [sflag:$0x2] =	stream.indirect_vreg.gather [hbm4b:s5+s3], $0x80, v3, vm0, $0xb8;
	[tilespmem:$0x18100] =	vst v63  }
0x71: {  	s14 =	sor.u32 s4, s0;
	s10 =	sand.u32 $0x3000, s3;
	s11 =	sand.u32 $0x380, s1  }
0x72: {  	[tilespmem:s23], [sflag:$0x2] =	stream.indirect_vreg.gather [hbm4b:s6+s3], $0x80, v3, vm0, $0xb8;
	[tilespmem:$0x18100] =	vst v63  }
0x73: {  	s15 =	sshrl.u32 s10, $0x2;
	s1 =	sadd.s32 s11, s14  }
0x74: {  	[tilespmem:s24], [sflag:$0x2] =	stream.indirect_vreg.gather [hbm4b:s7+s3], $0x80, v3, vm0, $0xb8;
	[tilespmem:$0x18100] =	vst v63  }
0x75: {  	s0 =	sor.u32 s15, s0;
	v3 =	vld [tilespmem:s1+$0x70]  }
0x76: {  	s0 =	sadd.s32 s11, s0;
	v5 =	vld [tilespmem:s1+$0x1070]  }
0x77: {  	v6 =	vld [tilespmem:s0+$0x0]  }
0x78: {  	v8 =	vld [tilespmem:s0+$0x1000]  }
0x79: {  	v9 =	vld [tilespmem:s1+$0x10]  }
0x7a: {  	v7 =	vld [tilespmem:s1+$0x1010]  }
0x7b: {  	v4 =	vld [tilespmem:s1+$0x20];
	v3 =	vadd.s32 $0x8000, v3;
	v10 =	vadd.s32 $0x8000, v5  }
0x7c: {  	v5 =	vld [tilespmem:s1+$0x1020];
	v11 =	vshrl.u32 v3, $0x10;
	v10 =	vand.u32 $0xFFFF0000, v10  }
0x7d: {  	s0 =	simm.s32 $0x10140;
	v6 =	vadd.s32 $0x8000, v6;
	v12 =	vadd.s32 $0x8000, v8;
	v3 =	vld [tilespmem:s1+$0x30];
	v11 =	vor.u32 v11, v10  }
0x7e: {  	s4 =	simm.s32 $0x0;
	s10 =	simm.s32 $0x0;
	s11 =	simm.s32 $0x0;
	v9 =	vadd.s32 $0x8000, v9;
	v8 =	vshrl.u32 v6, $0x10;
	v6 =	vld [tilespmem:s1+$0x1030];
	v10 =	vand.u32 $0xFFFF0000, v12;
	[tilespmem:s0+$0x30] =	vst v11  }
.LBB2_2:
0x7f: {  	s4 =	sadd.s32 $0x8, s4;
	v8 =	vor.u32 v8, v10;
	v7 =	vadd.s32 $0x8000, v7;
	v9 =	vshrl.u32 v9, $0x10;
	v10 =	vld [tilespmem:s1+$0x40];
	s10 =	sadd.s32 $0x1000, s10  }
0x80: {  	s12 =	sand.u32 $0x3000, s10;
	s13 =	sshll.u32 s4, $0x5;
	p0 =	slt.u32 s4, $0x3F8;
	[tilespmem:s0+$0xFFFFFFC0] =	vst v8;
	v7 =	vand.u32 $0xFFFF0000, v7;
	v4 =	vadd.s32 $0x8000, v4;
	v8 =	vld [tilespmem:s1+$0x1040]  }
0x81: {  	s11 =	sadd.s32 $0x400, s11;
	s13 =	sand.u32 $0x6000, s13;
	s12 =	sshrl.u32 s12, $0x2;
	v7 =	vor.u32 v9, v7;
	v5 =	vadd.s32 $0x8000, v5;
	v4 =	vshrl.u32 v4, $0x10;
	v9 =	vld [tilespmem:s1+$0x50]  }
0x82: {  	s14 =	sshll.u32 s4, $0x2;
	s15 =	sand.u32 $0xC00, s11;
	s13 =	sor.u32 $0x100, s13;
	[tilespmem:s0+$0xFFFFFFD0] =	vst v7;
	v5 =	vand.u32 $0xFFFF0000, v5;
	v3 =	vadd.s32 $0x8000, v3;
	v7 =	vld [tilespmem:s1+$0x1050]  }
0x83: {  	s14 =	sand.u32 $0x380, s14;
	s12 =	sor.u32 s12, s13;
	s13 =	sor.u32 s15, s13;
	v4 =	vor.u32 v4, v5;
	v5 =	vadd.s32 $0x8000, v6;
	v3 =	vshrl.u32 v3, $0x10;
	v6 =	vld [tilespmem:s1+$0x60]  }
0x84: {  	s12 =	sadd.s32 s14, s12;
	[tilespmem:s0+$0xFFFFFFE0] =	vst v4;
	v4 =	vand.u32 $0xFFFF0000, v5;
	v5 =	vadd.s32 $0x8000, v10;
	v10 =	vld [tilespmem:s1+$0x1060];
	s1 =	sadd.s32 s14, s13  }
0x85: {  	v11 =	vld [tilespmem:s1+$0x70];
	v3 =	vor.u32 v3, v4;
	v4 =	vadd.s32 $0x8000, v8;
	v5 =	vshrl.u32 v5, $0x10  }
0x86: {  	v8 =	vld [tilespmem:s1+$0x1070];
	[tilespmem:s0+$0xFFFFFFF0] =	vst v3;
	v3 =	vand.u32 $0xFFFF0000, v4;
	v4 =	vadd.s32 $0x8000, v9  }
0x87: {  	v9 =	vld [tilespmem:s12+$0x0];
	v3 =	vor.u32 v5, v3;
	v5 =	vadd.s32 $0x8000, v7;
	v4 =	vshrl.u32 v4, $0x10  }
0x88: {  	v12 =	vld [tilespmem:s12+$0x1000];
	[tilespmem:s0+$0x0] =	vst v3;
	v3 =	vand.u32 $0xFFFF0000, v5;
	v5 =	vadd.s32 $0x8000, v6  }
0x89: {  	v6 =	vld [tilespmem:s1+$0x10];
	v3 =	vor.u32 v4, v3;
	v4 =	vadd.s32 $0x8000, v10;
	v5 =	vshrl.u32 v5, $0x10  }
.Ltmp0:
0x8a: {  	v7 =	vld [tilespmem:s1+$0x1010];
	[tilespmem:s0+$0x10] =	vst v3;
	v3 =	vand.u32 $0xFFFF0000, v4;
	(pc) =	sbr.rel @p0 .LBB2_2-.Ltmp0, $4  }
0x8b: {  	v10 =	vadd.s32 $0x8000, v11;
	v4 =	vld [tilespmem:s1+$0x20];
	v8 =	vadd.s32 $0x8000, v8;
	v3 =	vor.u32 v5, v3  }
0x8c: {  	v10 =	vshrl.u32 v10, $0x10;
	v9 =	vadd.s32 $0x8000, v9;
	v5 =	vld [tilespmem:s1+$0x1020];
	v11 =	vand.u32 $0xFFFF0000, v8;
	[tilespmem:s0+$0x20] =	vst v3  }
0x8d: {  	s0 =	sadd.s32 $0x80, s0;
	v12 =	vadd.s32 $0x8000, v12;
	v8 =	vshrl.u32 v9, $0x10;
	v3 =	vld [tilespmem:s1+$0x30];
	v11 =	vor.u32 v10, v11  }
0x8e: {  	v10 =	vand.u32 $0xFFFF0000, v12;
	v9 =	vadd.s32 $0x8000, v6;
	v6 =	vld [tilespmem:s1+$0x1030];
	[tilespmem:s0+$0x30] =	vst v11  }
0x8f: {  	v11 =	vld [tilespmem:s1+$0x40]  }
0x90: {  	v12 =	vld [tilespmem:s1+$0x1040]  }
0x91: {  	v8 =	vor.u32 v8, v10;
	v7 =	vadd.s32 $0x8000, v7;
	v10 =	vld [tilespmem:s1+$0x50]  }
0x92: {  	v9 =	vshrl.u32 v9, $0x10;
	v13 =	vld [tilespmem:s1+$0x1050];
	v7 =	vand.u32 $0xFFFF0000, v7;
	v4 =	vadd.s32 $0x8000, v4  }
0x93: {  	v14 =	vld [tilespmem:s1+$0x1060];
	v7 =	vor.u32 v9, v7;
	v5 =	vadd.s32 $0x8000, v5;
	v4 =	vshrl.u32 v4, $0x10  }
0x94: {  	v9 =	vld [tilespmem:s1+$0x60];
	v5 =	vand.u32 $0xFFFF0000, v5;
	v3 =	vadd.s32 $0x8000, v3;
	v6 =	vadd.s32 $0x8000, v6  }
0x95: {  	v4 =	vor.u32 v4, v5;
	v3 =	vshrl.u32 v3, $0x10;
	v5 =	vand.u32 $0xFFFF0000, v6  }
0x96: {  	[tilespmem:s0+$0xFFFFFFC0] =	vst v8;
	v6 =	vadd.s32 $0x8000, v12;
	v3 =	vor.u32 v3, v5;
	v5 =	vadd.s32 $0x8000, v11  }
0x97: {  	[tilespmem:s0+$0xFFFFFFD0] =	vst v7;
	v7 =	vadd.s32 $0x8000, v10;
	v6 =	vand.u32 $0xFFFF0000, v6;
	v5 =	vshrl.u32 v5, $0x10  }
0x98: {  	[tilespmem:s0+$0xFFFFFFE0] =	vst v4;
	v4 =	vor.u32 v5, v6;
	v5 =	vadd.s32 $0x8000, v13;
	v6 =	vshrl.u32 v7, $0x10  }
0x99: {  	[tilespmem:s0+$0xFFFFFFF0] =	vst v3;
	v7 =	vadd.s32 $0x8000, v14;
	v3 =	vand.u32 $0xFFFF0000, v5;
	v5 =	vadd.s32 $0x8000, v9  }
0x9a: {  	[tilespmem:s0+$0x0] =	vst v4;
	v3 =	vor.u32 v6, v3;
	v4 =	vshrl.u32 v5, $0x10;
	v5 =	vand.u32 $0xFFFF0000, v7  }
0x9b: {  	[tilespmem:s0+$0x10] =	vst v3;
	v3 =	vor.u32 v4, v5  }
0x9c: {  	[tilespmem:s0+$0x20] =	vst v3  }
0x9d: {  	s0 =	simm.s32 $0x0;
	s10 =	rddreg [dreg:$0x5]  }
0x9e: {  	[hbm4b:s10+s0] =	stream.linear.scatter [tilespmem:s25], [sflag:$0x3], $0x4000, $0x38;
	[tilespmem:$0x18100] =	vst v63  }
0x9f: {  	_ =	swait.ge [sflag:s26], $0x8000  }
0xa0: {  	[sflag:s26] =	ssyncset.done $0x0  }
0xa1: {  	[sflag:s26] =	ssyncadd.s32 $0xFFFF8000  }
0xa2: {  	v3 =	vld [tilespmem:$0x40];
	_ =	sdelay $0x4  }
0xa3: {  	v4 =	vshll.u32 v3, $0x3  }
0xa4: {  	v3 =	vand.u32 $0x7, v3;
	v4 =	vand.u32 $0xFFFFFFC0, v4  }
0xa5: {  	v3 =	vor.u32 v3, v4  }
0xa6: {  	v4 =	vperm.xlane v3, v0;
	_ =	sdelay $0x1  }
0xa7: {  	v4 =	vadd.s32 v1, v4;
	_ =	sdelay $0x3  }
0xa8: {  	s11 =	simm.s32 $0x100  }
0xa9: {  	[tilespmem:s11], [sflag:$0x1] =	stream.indirect_vreg.gather [hbm4b:s2+s0], $0x80, v4, vm0, $0xb8;
	[tilespmem:$0x18100] =	vst v63  }
0xaa: {  	s12 =	simm.s32 $0x900;
	v3 =	vperm.xlane v3, v2  }
0xab: {  	[tilespmem:s12], [sflag:$0x1] =	stream.indirect_vreg.gather [hbm4b:s5+s0], $0x80, v4, vm0, $0xb8;
	[tilespmem:$0x18100] =	vst v63  }
0xac: {  	s13 =	simm.s32 $0x1100;
	v3 =	vadd.s32 v1, v3  }
0xad: {  	[tilespmem:s13], [sflag:$0x1] =	stream.indirect_vreg.gather [hbm4b:s6+s0], $0x80, v4, vm0, $0xb8;
	[tilespmem:$0x18100] =	vst v63  }
0xae: {  	s14 =	simm.s32 $0x1900  }
0xaf: {  	[tilespmem:s14], [sflag:$0x1] =	stream.indirect_vreg.gather [hbm4b:s7+s0], $0x80, v4, vm0, $0xb8;
	[tilespmem:$0x18100] =	vst v63  }
0xb0: {  	s15 =	simm.s32 $0x2100  }
0xb1: {  	[tilespmem:s15], [sflag:$0x1] =	stream.indirect_vreg.gather [hbm4b:s2+s0], $0x80, v3, vm0, $0xb8;
	[tilespmem:$0x18100] =	vst v63  }
0xb2: {  	s4 =	simm.s32 $0x2900  }
0xb3: {  	[tilespmem:s4], [sflag:$0x1] =	stream.indirect_vreg.gather [hbm4b:s5+s0], $0x80, v3, vm0, $0xb8;
	[tilespmem:$0x18100] =	vst v63  }
0xb4: {  	s10 =	simm.s32 $0x3100  }
0xb5: {  	[tilespmem:s10], [sflag:$0x1] =	stream.indirect_vreg.gather [hbm4b:s6+s0], $0x80, v3, vm0, $0xb8;
	[tilespmem:$0x18100] =	vst v63  }
0xb6: {  	s11 =	simm.s32 $0x3900  }
0xb7: {  	[tilespmem:s11], [sflag:$0x1] =	stream.indirect_vreg.gather [hbm4b:s7+s0], $0x80, v3, vm0, $0xb8;
	[tilespmem:$0x18100] =	vst v63  }
0xb8: {  	v3 =	vld [tilespmem:$0x50];
	_ =	sdelay $0x4  }
0xb9: {  	v4 =	vshll.u32 v3, $0x3  }
0xba: {  	v3 =	vand.u32 $0x7, v3;
	v4 =	vand.u32 $0xFFFFFFC0, v4  }
0xbb: {  	v3 =	vor.u32 v3, v4  }
0xbc: {  	v4 =	vperm.xlane v3, v0;
	_ =	sdelay $0x1  }
0xbd: {  	v4 =	vadd.s32 v1, v4;
	_ =	sdelay $0x3  }
0xbe: {  	s12 =	simm.s32 $0x4100  }
0xbf: {  	[tilespmem:s12], [sflag:$0x1] =	stream.indirect_vreg.gather [hbm4b:s2+s0], $0x80, v4, vm0, $0xb8;
	[tilespmem:$0x18100] =	vst v63  }
0xc0: {  	s13 =	simm.s32 $0x4900;
	v3 =	vperm.xlane v3, v2  }
0xc1: {  	[tilespmem:s13], [sflag:$0x1] =	stream.indirect_vreg.gather [hbm4b:s5+s0], $0x80, v4, vm0, $0xb8;
	[tilespmem:$0x18100] =	vst v63  }
0xc2: {  	s14 =	simm.s32 $0x5100;
	v3 =	vadd.s32 v1, v3  }
0xc3: {  	[tilespmem:s14], [sflag:$0x1] =	stream.indirect_vreg.gather [hbm4b:s6+s0], $0x80, v4, vm0, $0xb8;
	[tilespmem:$0x18100] =	vst v63  }
0xc4: {  	s15 =	simm.s32 $0x5900  }
0xc5: {  	[tilespmem:s15], [sflag:$0x1] =	stream.indirect_vreg.gather [hbm4b:s7+s0], $0x80, v4, vm0, $0xb8;
	[tilespmem:$0x18100] =	vst v63  }
0xc6: {  	s4 =	simm.s32 $0x6100  }
0xc7: {  	[tilespmem:s4], [sflag:$0x1] =	stream.indirect_vreg.gather [hbm4b:s2+s0], $0x80, v3, vm0, $0xb8;
	[tilespmem:$0x18100] =	vst v63  }
0xc8: {  	s10 =	simm.s32 $0x6900;
	s13 =	simm.s32 $0x0  }
0xc9: {  	[tilespmem:s10], [sflag:$0x1] =	stream.indirect_vreg.gather [hbm4b:s5+s0], $0x80, v3, vm0, $0xb8;
	[tilespmem:$0x18100] =	vst v63  }
0xca: {  	s11 =	simm.s32 $0x7100;
	s12 =	simm.s32 $0x7900;
	s1 =	sand.u32 $0x6000, s13  }
0xcb: {  	[tilespmem:s11], [sflag:$0x1] =	stream.indirect_vreg.gather [hbm4b:s6+s0], $0x80, v3, vm0, $0xb8;
	[tilespmem:$0x18100] =	vst v63  }
0xcc: {  	s1 =	sor.u32 $0x8100, s1;
	s4 =	simm.s32 $0x0;
	s10 =	sand.u32 $0xC00, s0  }
0xcd: {  	[tilespmem:s12], [sflag:$0x1] =	stream.indirect_vreg.gather [hbm4b:s7+s0], $0x80, v3, vm0, $0xb8;
	[tilespmem:$0x18100] =	vst v63  }
0xce: {  	s14 =	sor.u32 s10, s1;
	s11 =	sand.u32 $0x3000, s0;
	s12 =	sand.u32 $0x380, s4  }
0xcf: {  	s15 =	sshrl.u32 s11, $0x2;
	s4 =	sadd.s32 s12, s14  }
0xd0: {  	s1 =	sor.u32 s15, s1;
	v3 =	vld [tilespmem:s4+$0x70]  }
0xd1: {  	s1 =	sadd.s32 s12, s1;
	v5 =	vld [tilespmem:s4+$0x1070]  }
0xd2: {  	v6 =	vld [tilespmem:s1+$0x0]  }
0xd3: {  	v8 =	vld [tilespmem:s1+$0x1000]  }
0xd4: {  	v9 =	vld [tilespmem:s4+$0x10]  }
0xd5: {  	v7 =	vld [tilespmem:s4+$0x1010]  }
0xd6: {  	v4 =	vld [tilespmem:s4+$0x20];
	v3 =	vadd.s32 $0x8000, v3;
	v10 =	vadd.s32 $0x8000, v5  }
0xd7: {  	v5 =	vld [tilespmem:s4+$0x1020];
	v11 =	vshrl.u32 v3, $0x10;
	v10 =	vand.u32 $0xFFFF0000, v10  }
0xd8: {  	s1 =	simm.s32 $0x14140;
	v6 =	vadd.s32 $0x8000, v6;
	v63 =	vadd.s32 $0x8000, v8;
	v3 =	vld [tilespmem:s4+$0x30];
	v11 =	vor.u32 v11, v10  }
0xd9: {  	s10 =	simm.s32 $0x0;
	s11 =	simm.s32 $0x0;
	v9 =	vadd.s32 $0x8000, v9;
	v8 =	vshrl.u32 v6, $0x10;
	v6 =	vld [tilespmem:s4+$0x1030];
	v10 =	vand.u32 $0xFFFF0000, v63;
	[tilespmem:s1+$0x30] =	vst v11  }
.LBB2_4:
0xda: {  	s10 =	sadd.s32 $0x8, s10;
	v8 =	vor.u32 v8, v10;
	v7 =	vadd.s32 $0x8000, v7;
	v9 =	vshrl.u32 v9, $0x10;
	v10 =	vld [tilespmem:s4+$0x40];
	s0 =	sadd.s32 $0x1000, s0  }
0xdb: {  	s12 =	sand.u32 $0x3000, s0;
	s13 =	sshll.u32 s10, $0x5;
	p0 =	slt.u32 s10, $0x3F8;
	[tilespmem:s1+$0xFFFFFFC0] =	vst v8;
	v7 =	vand.u32 $0xFFFF0000, v7;
	v4 =	vadd.s32 $0x8000, v4;
	v8 =	vld [tilespmem:s4+$0x1040]  }
0xdc: {  	s11 =	sadd.s32 $0x400, s11;
	s13 =	sand.u32 $0x6000, s13;
	s12 =	sshrl.u32 s12, $0x2;
	v7 =	vor.u32 v9, v7;
	v5 =	vadd.s32 $0x8000, v5;
	v4 =	vshrl.u32 v4, $0x10;
	v9 =	vld [tilespmem:s4+$0x50]  }
0xdd: {  	s14 =	sshll.u32 s10, $0x2;
	s15 =	sand.u32 $0xC00, s11;
	s13 =	sor.u32 $0x8100, s13;
	[tilespmem:s1+$0xFFFFFFD0] =	vst v7;
	v5 =	vand.u32 $0xFFFF0000, v5;
	v3 =	vadd.s32 $0x8000, v3;
	v7 =	vld [tilespmem:s4+$0x1050]  }
0xde: {  	s14 =	sand.u32 $0x380, s14;
	s12 =	sor.u32 s12, s13;
	s13 =	sor.u32 s15, s13;
	v4 =	vor.u32 v4, v5;
	v5 =	vadd.s32 $0x8000, v6;
	v3 =	vshrl.u32 v3, $0x10;
	v6 =	vld [tilespmem:s4+$0x60]  }
0xdf: {  	s12 =	sadd.s32 s14, s12;
	[tilespmem:s1+$0xFFFFFFE0] =	vst v4;
	v4 =	vand.u32 $0xFFFF0000, v5;
	v5 =	vadd.s32 $0x8000, v10;
	v10 =	vld [tilespmem:s4+$0x1060];
	s4 =	sadd.s32 s14, s13  }
0xe0: {  	v11 =	vld [tilespmem:s4+$0x70];
	v3 =	vor.u32 v3, v4;
	v4 =	vadd.s32 $0x8000, v8;
	v5 =	vshrl.u32 v5, $0x10  }
0xe1: {  	v8 =	vld [tilespmem:s4+$0x1070];
	[tilespmem:s1+$0xFFFFFFF0] =	vst v3;
	v3 =	vand.u32 $0xFFFF0000, v4;
	v4 =	vadd.s32 $0x8000, v9  }
0xe2: {  	v9 =	vld [tilespmem:s12+$0x0];
	v3 =	vor.u32 v5, v3;
	v5 =	vadd.s32 $0x8000, v7;
	v4 =	vshrl.u32 v4, $0x10  }
0xe3: {  	v12 =	vld [tilespmem:s12+$0x1000];
	[tilespmem:s1+$0x0] =	vst v3;
	v3 =	vand.u32 $0xFFFF0000, v5;
	v5 =	vadd.s32 $0x8000, v6  }
0xe4: {  	v6 =	vld [tilespmem:s4+$0x10];
	v3 =	vor.u32 v4, v3;
	v4 =	vadd.s32 $0x8000, v10;
	v5 =	vshrl.u32 v5, $0x10  }
.Ltmp1:
0xe5: {  	v7 =	vld [tilespmem:s4+$0x1010];
	[tilespmem:s1+$0x10] =	vst v3;
	v3 =	vand.u32 $0xFFFF0000, v4;
	(pc) =	sbr.rel @p0 .LBB2_4-.Ltmp1, $4  }
0xe6: {  	v10 =	vadd.s32 $0x8000, v11;
	v4 =	vld [tilespmem:s4+$0x20];
	v8 =	vadd.s32 $0x8000, v8;
	v3 =	vor.u32 v5, v3  }
0xe7: {  	v10 =	vshrl.u32 v10, $0x10;
	v9 =	vadd.s32 $0x8000, v9;
	v5 =	vld [tilespmem:s4+$0x1020];
	v11 =	vand.u32 $0xFFFF0000, v8;
	[tilespmem:s1+$0x20] =	vst v3  }
0xe8: {  	s1 =	sadd.s32 $0x80, s1;
	v12 =	vadd.s32 $0x8000, v12;
	v8 =	vshrl.u32 v9, $0x10;
	v3 =	vld [tilespmem:s4+$0x30];
	v11 =	vor.u32 v10, v11  }
0xe9: {  	v10 =	vand.u32 $0xFFFF0000, v12;
	v9 =	vadd.s32 $0x8000, v6;
	v6 =	vld [tilespmem:s4+$0x1030];
	[tilespmem:s1+$0x30] =	vst v11  }
0xea: {  	v11 =	vld [tilespmem:s4+$0x40]  }
0xeb: {  	v12 =	vld [tilespmem:s4+$0x1040]  }
0xec: {  	v8 =	vor.u32 v8, v10;
	v7 =	vadd.s32 $0x8000, v7;
	v10 =	vld [tilespmem:s4+$0x50]  }
0xed: {  	v9 =	vshrl.u32 v9, $0x10;
	v13 =	vld [tilespmem:s4+$0x1050];
	v7 =	vand.u32 $0xFFFF0000, v7;
	v4 =	vadd.s32 $0x8000, v4  }
0xee: {  	v14 =	vld [tilespmem:s4+$0x1060];
	v7 =	vor.u32 v9, v7;
	v5 =	vadd.s32 $0x8000, v5;
	v4 =	vshrl.u32 v4, $0x10  }
0xef: {  	v9 =	vld [tilespmem:s4+$0x60];
	v5 =	vand.u32 $0xFFFF0000, v5;
	v3 =	vadd.s32 $0x8000, v3;
	v6 =	vadd.s32 $0x8000, v6  }
0xf0: {  	v4 =	vor.u32 v4, v5;
	v3 =	vshrl.u32 v3, $0x10;
	v5 =	vand.u32 $0xFFFF0000, v6  }
0xf1: {  	[tilespmem:s1+$0xFFFFFFC0] =	vst v8;
	v6 =	vadd.s32 $0x8000, v12;
	v3 =	vor.u32 v3, v5;
	v5 =	vadd.s32 $0x8000, v11  }
0xf2: {  	[tilespmem:s1+$0xFFFFFFD0] =	vst v7;
	v7 =	vadd.s32 $0x8000, v10;
	v6 =	vand.u32 $0xFFFF0000, v6;
	v5 =	vshrl.u32 v5, $0x10  }
0xf3: {  	[tilespmem:s1+$0xFFFFFFE0] =	vst v4;
	v4 =	vor.u32 v5, v6;
	v5 =	vadd.s32 $0x8000, v13;
	v6 =	vshrl.u32 v7, $0x10  }
0xf4: {  	[tilespmem:s1+$0xFFFFFFF0] =	vst v3;
	v7 =	vadd.s32 $0x8000, v14;
	v3 =	vand.u32 $0xFFFF0000, v5;
	v5 =	vadd.s32 $0x8000, v9  }
0xf5: {  	[tilespmem:s1+$0x0] =	vst v4;
	v3 =	vor.u32 v6, v3;
	v4 =	vshrl.u32 v5, $0x10;
	v5 =	vand.u32 $0xFFFF0000, v7  }
0xf6: {  	[tilespmem:s1+$0x10] =	vst v3;
	v3 =	vor.u32 v4, v5  }
0xf7: {  	[tilespmem:s1+$0x20] =	vst v3  }
0xf8: {  	s0 =	simm.s32 $0x0;
	s1 =	rddreg [dreg:$0x6]  }
0xf9: {  	[hbm4b:s1+s0] =	stream.linear.scatter [tilespmem:s28], [sflag:$0x4], $0x4000, $0x38;
	[tilespmem:$0x18100] =	vst v63  }
0xfa: {  	_ =	swait.ge [sflag:s9], $0x8000  }
0xfb: {  	[sflag:s9] =	ssyncset.done $0x0  }
0xfc: {  	[sflag:s9] =	ssyncadd.s32 $0xFFFF8000  }
0xfd: {  	v3 =	vld [tilespmem:$0x60];
	_ =	sdelay $0x4  }
0xfe: {  	v4 =	vshll.u32 v3, $0x3  }
0xff: {  	v3 =	vand.u32 $0x7, v3;
	v4 =	vand.u32 $0xFFFFFFC0, v4  }
0x100: {  	v3 =	vor.u32 v3, v4  }
0x101: {  	v4 =	vperm.xlane v3, v0;
	_ =	sdelay $0x1  }
0x102: {  	v4 =	vadd.s32 v1, v4;
	_ =	sdelay $0x3  }
0x103: {  	s13 =	simm.s32 $0x8100  }
0x104: {  	[tilespmem:s13], [sflag:$0x2] =	stream.indirect_vreg.gather [hbm4b:s2+s0], $0x80, v4, vm0, $0xb8;
	[tilespmem:$0x18100] =	vst v63  }
0x105: {  	s14 =	simm.s32 $0x8900;
	v3 =	vperm.xlane v3, v2  }
0x106: {  	[tilespmem:s14], [sflag:$0x2] =	stream.indirect_vreg.gather [hbm4b:s5+s0], $0x80, v4, vm0, $0xb8;
	[tilespmem:$0x18100] =	vst v63  }
0x107: {  	s15 =	simm.s32 $0x9100;
	v3 =	vadd.s32 v1, v3  }
0x108: {  	[tilespmem:s15], [sflag:$0x2] =	stream.indirect_vreg.gather [hbm4b:s6+s0], $0x80, v4, vm0, $0xb8;
	[tilespmem:$0x18100] =	vst v63  }
0x109: {  	s4 =	simm.s32 $0x9900  }
0x10a: {  	[tilespmem:s4], [sflag:$0x2] =	stream.indirect_vreg.gather [hbm4b:s7+s0], $0x80, v4, vm0, $0xb8;
	[tilespmem:$0x18100] =	vst v63  }
0x10b: {  	s10 =	simm.s32 $0xA100  }
0x10c: {  	[tilespmem:s10], [sflag:$0x2] =	stream.indirect_vreg.gather [hbm4b:s2+s0], $0x80, v3, vm0, $0xb8;
	[tilespmem:$0x18100] =	vst v63  }
0x10d: {  	s11 =	simm.s32 $0xA900  }
0x10e: {  	[tilespmem:s11], [sflag:$0x2] =	stream.indirect_vreg.gather [hbm4b:s5+s0], $0x80, v3, vm0, $0xb8;
	[tilespmem:$0x18100] =	vst v63  }
0x10f: {  	_ = 	snop  }
0x110: {  	[tilespmem:s16], [sflag:$0x2] =	stream.indirect_vreg.gather [hbm4b:s6+s0], $0x80, v3, vm0, $0xb8;
	[tilespmem:$0x18100] =	vst v63  }
0x111: {  	_ = 	snop  }
0x112: {  	[tilespmem:s8], [sflag:$0x2] =	stream.indirect_vreg.gather [hbm4b:s7+s0], $0x80, v3, vm0, $0xb8;
	[tilespmem:$0x18100] =	vst v63  }
0x113: {  	v3 =	vld [tilespmem:$0x70];
	_ =	sdelay $0x4  }
0x114: {  	v4 =	vshll.u32 v3, $0x3  }
0x115: {  	v3 =	vand.u32 $0x7, v3;
	v4 =	vand.u32 $0xFFFFFFC0, v4  }
0x116: {  	v3 =	vor.u32 v3, v4  }
0x117: {  	v4 =	vperm.xlane v3, v0;
	_ =	sdelay $0x1  }
0x118: {  	v4 =	vadd.s32 v1, v4;
	_ =	sdelay $0x4  }
0x119: {  	[tilespmem:s17], [sflag:$0x2] =	stream.indirect_vreg.gather [hbm4b:s2+s0], $0x80, v4, vm0, $0xb8;
	[tilespmem:$0x18100] =	vst v63  }
0x11a: {  	v3 =	vperm.xlane v3, v2  }
0x11b: {  	[tilespmem:s18], [sflag:$0x2] =	stream.indirect_vreg.gather [hbm4b:s5+s0], $0x80, v4, vm0, $0xb8;
	[tilespmem:$0x18100] =	vst v63  }
0x11c: {  	v3 =	vadd.s32 v1, v3  }
0x11d: {  	[tilespmem:s19], [sflag:$0x2] =	stream.indirect_vreg.gather [hbm4b:s6+s0], $0x80, v4, vm0, $0xb8;
	[tilespmem:$0x18100] =	vst v63  }
0x11e: {  	_ = 	snop  }
0x11f: {  	[tilespmem:s20], [sflag:$0x2] =	stream.indirect_vreg.gather [hbm4b:s7+s0], $0x80, v4, vm0, $0xb8;
	[tilespmem:$0x18100] =	vst v63  }
0x120: {  	_ = 	snop  }
0x121: {  	[tilespmem:s21], [sflag:$0x2] =	stream.indirect_vreg.gather [hbm4b:s2+s0], $0x80, v3, vm0, $0xb8;
	[tilespmem:$0x18100] =	vst v63  }
0x122: {  	s12 =	simm.s32 $0x0  }
0x123: {  	[tilespmem:s22], [sflag:$0x2] =	stream.indirect_vreg.gather [hbm4b:s5+s0], $0x80, v3, vm0, $0xb8;
	[tilespmem:$0x18100] =	vst v63  }
0x124: {  	s1 =	sand.u32 $0x6000, s12  }
0x125: {  	[tilespmem:s23], [sflag:$0x2] =	stream.indirect_vreg.gather [hbm4b:s6+s0], $0x80, v3, vm0, $0xb8;
	[tilespmem:$0x18100] =	vst v63  }
0x126: {  	s1 =	sor.u32 $0x100, s1;
	s13 =	simm.s32 $0x0  }
0x127: {  	[tilespmem:s24], [sflag:$0x2] =	stream.indirect_vreg.gather [hbm4b:s7+s0], $0x80, v3, vm0, $0xb8;
	[tilespmem:$0x18100] =	vst v63  }
0x128: {  	s12 =	sand.u32 $0x380, s13;
	s10 =	sand.u32 $0xC00, s0;
	_ =	swait.ge [sflag:s29], $0x4000  }
0x129: {  	s14 =	sor.u32 s10, s1;
	s11 =	sand.u32 $0x3000, s0;
	[sflag:s29] =	ssyncset.done $0x0  }
0x12a: {  	s4 =	sadd.s32 s12, s14;
	s15 =	sshrl.u32 s11, $0x2;
	[sflag:s29] =	ssyncadd.s32 $0xFFFFC000  }
0x12b: {  	s1 =	sor.u32 s15, s1;
	v3 =	vld [tilespmem:s4+$0x70]  }
0x12c: {  	s1 =	sadd.s32 s12, s1;
	v5 =	vld [tilespmem:s4+$0x1070]  }
0x12d: {  	v6 =	vld [tilespmem:s1+$0x0]  }
0x12e: {  	v8 =	vld [tilespmem:s1+$0x1000]  }
0x12f: {  	v9 =	vld [tilespmem:s4+$0x10]  }
0x130: {  	v7 =	vld [tilespmem:s4+$0x1010]  }
0x131: {  	v4 =	vld [tilespmem:s4+$0x20];
	v3 =	vadd.s32 $0x8000, v3;
	v10 =	vadd.s32 $0x8000, v5  }
0x132: {  	v5 =	vld [tilespmem:s4+$0x1020];
	v11 =	vshrl.u32 v3, $0x10;
	v10 =	vand.u32 $0xFFFF0000, v10  }
0x133: {  	s1 =	simm.s32 $0x10140;
	v6 =	vadd.s32 $0x8000, v6;
	v63 =	vadd.s32 $0x8000, v8;
	v3 =	vld [tilespmem:s4+$0x30];
	v11 =	vor.u32 v11, v10  }
0x134: {  	s10 =	simm.s32 $0x0;
	s11 =	simm.s32 $0x0;
	v9 =	vadd.s32 $0x8000, v9;
	v8 =	vshrl.u32 v6, $0x10;
	v6 =	vld [tilespmem:s4+$0x1030];
	v10 =	vand.u32 $0xFFFF0000, v63;
	[tilespmem:s1+$0x30] =	vst v11  }
.LBB2_6:
0x135: {  	s10 =	sadd.s32 $0x8, s10;
	v8 =	vor.u32 v8, v10;
	v7 =	vadd.s32 $0x8000, v7;
	v9 =	vshrl.u32 v9, $0x10;
	v10 =	vld [tilespmem:s4+$0x40];
	s0 =	sadd.s32 $0x1000, s0  }
0x136: {  	s12 =	sand.u32 $0x3000, s0;
	s13 =	sshll.u32 s10, $0x5;
	p0 =	slt.u32 s10, $0x3F8;
	[tilespmem:s1+$0xFFFFFFC0] =	vst v8;
	v7 =	vand.u32 $0xFFFF0000, v7;
	v4 =	vadd.s32 $0x8000, v4;
	v8 =	vld [tilespmem:s4+$0x1040]  }
0x137: {  	s11 =	sadd.s32 $0x400, s11;
	s13 =	sand.u32 $0x6000, s13;
	s12 =	sshrl.u32 s12, $0x2;
	v7 =	vor.u32 v9, v7;
	v5 =	vadd.s32 $0x8000, v5;
	v4 =	vshrl.u32 v4, $0x10;
	v9 =	vld [tilespmem:s4+$0x50]  }
0x138: {  	s14 =	sshll.u32 s10, $0x2;
	s15 =	sand.u32 $0xC00, s11;
	s13 =	sor.u32 $0x100, s13;
	[tilespmem:s1+$0xFFFFFFD0] =	vst v7;
	v5 =	vand.u32 $0xFFFF0000, v5;
	v3 =	vadd.s32 $0x8000, v3;
	v7 =	vld [tilespmem:s4+$0x1050]  }
0x139: {  	s14 =	sand.u32 $0x380, s14;
	s12 =	sor.u32 s12, s13;
	s13 =	sor.u32 s15, s13;
	v4 =	vor.u32 v4, v5;
	v5 =	vadd.s32 $0x8000, v6;
	v3 =	vshrl.u32 v3, $0x10;
	v6 =	vld [tilespmem:s4+$0x60]  }
0x13a: {  	s12 =	sadd.s32 s14, s12;
	[tilespmem:s1+$0xFFFFFFE0] =	vst v4;
	v4 =	vand.u32 $0xFFFF0000, v5;
	v5 =	vadd.s32 $0x8000, v10;
	v10 =	vld [tilespmem:s4+$0x1060];
	s4 =	sadd.s32 s14, s13  }
0x13b: {  	v11 =	vld [tilespmem:s4+$0x70];
	v3 =	vor.u32 v3, v4;
	v4 =	vadd.s32 $0x8000, v8;
	v5 =	vshrl.u32 v5, $0x10  }
0x13c: {  	v8 =	vld [tilespmem:s4+$0x1070];
	[tilespmem:s1+$0xFFFFFFF0] =	vst v3;
	v3 =	vand.u32 $0xFFFF0000, v4;
	v4 =	vadd.s32 $0x8000, v9  }
0x13d: {  	v9 =	vld [tilespmem:s12+$0x0];
	v3 =	vor.u32 v5, v3;
	v5 =	vadd.s32 $0x8000, v7;
	v4 =	vshrl.u32 v4, $0x10  }
0x13e: {  	v12 =	vld [tilespmem:s12+$0x1000];
	[tilespmem:s1+$0x0] =	vst v3;
	v3 =	vand.u32 $0xFFFF0000, v5;
	v5 =	vadd.s32 $0x8000, v6  }
0x13f: {  	v6 =	vld [tilespmem:s4+$0x10];
	v3 =	vor.u32 v4, v3;
	v4 =	vadd.s32 $0x8000, v10;
	v5 =	vshrl.u32 v5, $0x10  }
.Ltmp2:
0x140: {  	v7 =	vld [tilespmem:s4+$0x1010];
	[tilespmem:s1+$0x10] =	vst v3;
	v3 =	vand.u32 $0xFFFF0000, v4;
	(pc) =	sbr.rel @p0 .LBB2_6-.Ltmp2, $4  }
0x141: {  	v10 =	vadd.s32 $0x8000, v11;
	v4 =	vld [tilespmem:s4+$0x20];
	v8 =	vadd.s32 $0x8000, v8;
	v3 =	vor.u32 v5, v3  }
0x142: {  	v10 =	vshrl.u32 v10, $0x10;
	v9 =	vadd.s32 $0x8000, v9;
	v5 =	vld [tilespmem:s4+$0x1020];
	v11 =	vand.u32 $0xFFFF0000, v8;
	[tilespmem:s1+$0x20] =	vst v3  }
0x143: {  	s1 =	sadd.s32 $0x80, s1;
	v12 =	vadd.s32 $0x8000, v12;
	v8 =	vshrl.u32 v9, $0x10;
	v3 =	vld [tilespmem:s4+$0x30];
	v11 =	vor.u32 v10, v11  }
0x144: {  	v10 =	vand.u32 $0xFFFF0000, v12;
	v9 =	vadd.s32 $0x8000, v6;
	v6 =	vld [tilespmem:s4+$0x1030];
	[tilespmem:s1+$0x30] =	vst v11  }
0x145: {  	v11 =	vld [tilespmem:s4+$0x40]  }
0x146: {  	v12 =	vld [tilespmem:s4+$0x1040]  }
0x147: {  	v8 =	vor.u32 v8, v10;
	v7 =	vadd.s32 $0x8000, v7;
	v10 =	vld [tilespmem:s4+$0x50]  }
0x148: {  	v9 =	vshrl.u32 v9, $0x10;
	v13 =	vld [tilespmem:s4+$0x1050];
	v7 =	vand.u32 $0xFFFF0000, v7;
	v4 =	vadd.s32 $0x8000, v4  }
0x149: {  	v14 =	vld [tilespmem:s4+$0x1060];
	v7 =	vor.u32 v9, v7;
	v5 =	vadd.s32 $0x8000, v5;
	v4 =	vshrl.u32 v4, $0x10  }
0x14a: {  	v9 =	vld [tilespmem:s4+$0x60];
	v5 =	vand.u32 $0xFFFF0000, v5;
	v3 =	vadd.s32 $0x8000, v3;
	v6 =	vadd.s32 $0x8000, v6  }
0x14b: {  	v4 =	vor.u32 v4, v5;
	v3 =	vshrl.u32 v3, $0x10;
	v5 =	vand.u32 $0xFFFF0000, v6  }
0x14c: {  	[tilespmem:s1+$0xFFFFFFC0] =	vst v8;
	v6 =	vadd.s32 $0x8000, v12;
	v3 =	vor.u32 v3, v5;
	v5 =	vadd.s32 $0x8000, v11  }
0x14d: {  	[tilespmem:s1+$0xFFFFFFD0] =	vst v7;
	v7 =	vadd.s32 $0x8000, v10;
	v6 =	vand.u32 $0xFFFF0000, v6;
	v5 =	vshrl.u32 v5, $0x10  }
0x14e: {  	[tilespmem:s1+$0xFFFFFFE0] =	vst v4;
	v4 =	vor.u32 v5, v6;
	v5 =	vadd.s32 $0x8000, v13;
	v6 =	vshrl.u32 v7, $0x10  }
0x14f: {  	[tilespmem:s1+$0xFFFFFFF0] =	vst v3;
	v7 =	vadd.s32 $0x8000, v14;
	v3 =	vand.u32 $0xFFFF0000, v5;
	v5 =	vadd.s32 $0x8000, v9  }
0x150: {  	[tilespmem:s1+$0x0] =	vst v4;
	v3 =	vor.u32 v6, v3;
	v4 =	vshrl.u32 v5, $0x10;
	v5 =	vand.u32 $0xFFFF0000, v7  }
0x151: {  	[tilespmem:s1+$0x10] =	vst v3;
	v3 =	vor.u32 v4, v5  }
0x152: {  	[tilespmem:s1+$0x20] =	vst v3  }
0x153: {  	s0 =	simm.s32 $0x0;
	s1 =	rddreg [dreg:$0x7]  }
0x154: {  	[hbm4b:s1+s0] =	stream.linear.scatter [tilespmem:s25], [sflag:$0x3], $0x4000, $0x38;
	[tilespmem:$0x18100] =	vst v63  }
0x155: {  	_ =	swait.ge [sflag:s26], $0x8000  }
0x156: {  	[sflag:s26] =	ssyncset.done $0x0  }
0x157: {  	[sflag:s26] =	ssyncadd.s32 $0xFFFF8000  }
0x158: {  	v3 =	vld [tilespmem:$0x80];
	_ =	sdelay $0x4  }
0x159: {  	v4 =	vshll.u32 v3, $0x3  }
0x15a: {  	v3 =	vand.u32 $0x7, v3;
	v4 =	vand.u32 $0xFFFFFFC0, v4  }
0x15b: {  	v3 =	vor.u32 v3, v4  }
0x15c: {  	v4 =	vperm.xlane v3, v0;
	_ =	sdelay $0x1  }
0x15d: {  	v4 =	vadd.s32 v1, v4;
	_ =	sdelay $0x3  }
0x15e: {  	s10 =	simm.s32 $0x100  }
0x15f: {  	[tilespmem:s10], [sflag:$0x1] =	stream.indirect_vreg.gather [hbm4b:s2+s0], $0x80, v4, vm0, $0xb8;
	[tilespmem:$0x18100] =	vst v63  }
0x160: {  	s11 =	simm.s32 $0x900;
	v3 =	vperm.xlane v3, v2  }
0x161: {  	[tilespmem:s11], [sflag:$0x1] =	stream.indirect_vreg.gather [hbm4b:s5+s0], $0x80, v4, vm0, $0xb8;
	[tilespmem:$0x18100] =	vst v63  }
0x162: {  	s12 =	simm.s32 $0x1100;
	v3 =	vadd.s32 v1, v3  }
0x163: {  	[tilespmem:s12], [sflag:$0x1] =	stream.indirect_vreg.gather [hbm4b:s6+s0], $0x80, v4, vm0, $0xb8;
	[tilespmem:$0x18100] =	vst v63  }
0x164: {  	s13 =	simm.s32 $0x1900  }
0x165: {  	[tilespmem:s13], [sflag:$0x1] =	stream.indirect_vreg.gather [hbm4b:s7+s0], $0x80, v4, vm0, $0xb8;
	[tilespmem:$0x18100] =	vst v63  }
0x166: {  	s14 =	simm.s32 $0x2100  }
0x167: {  	[tilespmem:s14], [sflag:$0x1] =	stream.indirect_vreg.gather [hbm4b:s2+s0], $0x80, v3, vm0, $0xb8;
	[tilespmem:$0x18100] =	vst v63  }
0x168: {  	s15 =	simm.s32 $0x2900  }
0x169: {  	[tilespmem:s15], [sflag:$0x1] =	stream.indirect_vreg.gather [hbm4b:s5+s0], $0x80, v3, vm0, $0xb8;
	[tilespmem:$0x18100] =	vst v63  }
0x16a: {  	s4 =	simm.s32 $0x3100  }
0x16b: {  	[tilespmem:s4], [sflag:$0x1] =	stream.indirect_vreg.gather [hbm4b:s6+s0], $0x80, v3, vm0, $0xb8;
	[tilespmem:$0x18100] =	vst v63  }
0x16c: {  	s10 =	simm.s32 $0x3900  }
0x16d: {  	[tilespmem:s10], [sflag:$0x1] =	stream.indirect_vreg.gather [hbm4b:s7+s0], $0x80, v3, vm0, $0xb8;
	[tilespmem:$0x18100] =	vst v63  }
0x16e: {  	v3 =	vld [tilespmem:$0x90];
	_ =	sdelay $0x4  }
0x16f: {  	v4 =	vshll.u32 v3, $0x3  }
0x170: {  	v3 =	vand.u32 $0x7, v3;
	v4 =	vand.u32 $0xFFFFFFC0, v4  }
0x171: {  	v3 =	vor.u32 v3, v4  }
0x172: {  	v4 =	vperm.xlane v3, v0;
	_ =	sdelay $0x1  }
0x173: {  	v4 =	vadd.s32 v1, v4;
	_ =	sdelay $0x3  }
0x174: {  	s11 =	simm.s32 $0x4100  }
0x175: {  	[tilespmem:s11], [sflag:$0x1] =	stream.indirect_vreg.gather [hbm4b:s2+s0], $0x80, v4, vm0, $0xb8;
	[tilespmem:$0x18100] =	vst v63  }
0x176: {  	s12 =	simm.s32 $0x4900;
	v3 =	vperm.xlane v3, v2  }
0x177: {  	[tilespmem:s12], [sflag:$0x1] =	stream.indirect_vreg.gather [hbm4b:s5+s0], $0x80, v4, vm0, $0xb8;
	[tilespmem:$0x18100] =	vst v63  }
0x178: {  	s13 =	simm.s32 $0x5100;
	v3 =	vadd.s32 v1, v3  }
0x179: {  	[tilespmem:s13], [sflag:$0x1] =	stream.indirect_vreg.gather [hbm4b:s6+s0], $0x80, v4, vm0, $0xb8;
	[tilespmem:$0x18100] =	vst v63  }
0x17a: {  	s14 =	simm.s32 $0x5900  }
0x17b: {  	[tilespmem:s14], [sflag:$0x1] =	stream.indirect_vreg.gather [hbm4b:s7+s0], $0x80, v4, vm0, $0xb8;
	[tilespmem:$0x18100] =	vst v63  }
0x17c: {  	s15 =	simm.s32 $0x6100  }
0x17d: {  	[tilespmem:s15], [sflag:$0x1] =	stream.indirect_vreg.gather [hbm4b:s2+s0], $0x80, v3, vm0, $0xb8;
	[tilespmem:$0x18100] =	vst v63  }
0x17e: {  	s4 =	simm.s32 $0x6900;
	s12 =	simm.s32 $0x0  }
0x17f: {  	[tilespmem:s4], [sflag:$0x1] =	stream.indirect_vreg.gather [hbm4b:s5+s0], $0x80, v3, vm0, $0xb8;
	[tilespmem:$0x18100] =	vst v63  }
0x180: {  	s10 =	simm.s32 $0x7100;
	s1 =	sand.u32 $0x6000, s12  }
0x181: {  	[tilespmem:s10], [sflag:$0x1] =	stream.indirect_vreg.gather [hbm4b:s6+s0], $0x80, v3, vm0, $0xb8;
	[tilespmem:$0x18100] =	vst v63  }
0x182: {  	s11 =	simm.s32 $0x7900;
	s13 =	simm.s32 $0x0;
	s1 =	sor.u32 $0x8100, s1  }
0x183: {  	[tilespmem:s11], [sflag:$0x1] =	stream.indirect_vreg.gather [hbm4b:s7+s0], $0x80, v3, vm0, $0xb8;
	[tilespmem:$0x18100] =	vst v63  }
0x184: {  	s12 =	sand.u32 $0x380, s13;
	s10 =	sand.u32 $0xC00, s0;
	_ =	swait.ge [sflag:s30], $0x4000  }
0x185: {  	s14 =	sor.u32 s10, s1;
	s11 =	sand.u32 $0x3000, s0;
	[sflag:s30] =	ssyncset.done $0x0  }
0x186: {  	s4 =	sadd.s32 s12, s14;
	s15 =	sshrl.u32 s11, $0x2;
	[sflag:s30] =	ssyncadd.s32 $0xFFFFC000  }
0x187: {  	s1 =	sor.u32 s15, s1;
	v3 =	vld [tilespmem:s4+$0x70]  }
0x188: {  	s1 =	sadd.s32 s12, s1;
	v5 =	vld [tilespmem:s4+$0x1070]  }
0x189: {  	v6 =	vld [tilespmem:s1+$0x0]  }
0x18a: {  	v8 =	vld [tilespmem:s1+$0x1000]  }
0x18b: {  	v9 =	vld [tilespmem:s4+$0x10]  }
0x18c: {  	v7 =	vld [tilespmem:s4+$0x1010]  }
0x18d: {  	v4 =	vld [tilespmem:s4+$0x20];
	v3 =	vadd.s32 $0x8000, v3;
	v10 =	vadd.s32 $0x8000, v5  }
0x18e: {  	v5 =	vld [tilespmem:s4+$0x1020];
	v11 =	vshrl.u32 v3, $0x10;
	v10 =	vand.u32 $0xFFFF0000, v10  }
0x18f: {  	s1 =	simm.s32 $0x14140;
	v6 =	vadd.s32 $0x8000, v6;
	v63 =	vadd.s32 $0x8000, v8;
	v3 =	vld [tilespmem:s4+$0x30];
	v11 =	vor.u32 v11, v10  }
0x190: {  	s10 =	simm.s32 $0x0;
	s11 =	simm.s32 $0x0;
	v9 =	vadd.s32 $0x8000, v9;
	v8 =	vshrl.u32 v6, $0x10;
	v6 =	vld [tilespmem:s4+$0x1030];
	v10 =	vand.u32 $0xFFFF0000, v63;
	[tilespmem:s1+$0x30] =	vst v11  }
.LBB2_8:
0x191: {  	s10 =	sadd.s32 $0x8, s10;
	v8 =	vor.u32 v8, v10;
	v7 =	vadd.s32 $0x8000, v7;
	v9 =	vshrl.u32 v9, $0x10;
	v10 =	vld [tilespmem:s4+$0x40];
	s0 =	sadd.s32 $0x1000, s0  }
0x192: {  	s12 =	sand.u32 $0x3000, s0;
	s13 =	sshll.u32 s10, $0x5;
	p0 =	slt.u32 s10, $0x3F8;
	[tilespmem:s1+$0xFFFFFFC0] =	vst v8;
	v7 =	vand.u32 $0xFFFF0000, v7;
	v4 =	vadd.s32 $0x8000, v4;
	v8 =	vld [tilespmem:s4+$0x1040]  }
0x193: {  	s11 =	sadd.s32 $0x400, s11;
	s13 =	sand.u32 $0x6000, s13;
	s12 =	sshrl.u32 s12, $0x2;
	v7 =	vor.u32 v9, v7;
	v5 =	vadd.s32 $0x8000, v5;
	v4 =	vshrl.u32 v4, $0x10;
	v9 =	vld [tilespmem:s4+$0x50]  }
0x194: {  	s14 =	sshll.u32 s10, $0x2;
	s15 =	sand.u32 $0xC00, s11;
	s13 =	sor.u32 $0x8100, s13;
	[tilespmem:s1+$0xFFFFFFD0] =	vst v7;
	v5 =	vand.u32 $0xFFFF0000, v5;
	v3 =	vadd.s32 $0x8000, v3;
	v7 =	vld [tilespmem:s4+$0x1050]  }
0x195: {  	s14 =	sand.u32 $0x380, s14;
	s12 =	sor.u32 s12, s13;
	s13 =	sor.u32 s15, s13;
	v4 =	vor.u32 v4, v5;
	v5 =	vadd.s32 $0x8000, v6;
	v3 =	vshrl.u32 v3, $0x10;
	v6 =	vld [tilespmem:s4+$0x60]  }
0x196: {  	s12 =	sadd.s32 s14, s12;
	[tilespmem:s1+$0xFFFFFFE0] =	vst v4;
	v4 =	vand.u32 $0xFFFF0000, v5;
	v5 =	vadd.s32 $0x8000, v10;
	v10 =	vld [tilespmem:s4+$0x1060];
	s4 =	sadd.s32 s14, s13  }
0x197: {  	v11 =	vld [tilespmem:s4+$0x70];
	v3 =	vor.u32 v3, v4;
	v4 =	vadd.s32 $0x8000, v8;
	v5 =	vshrl.u32 v5, $0x10  }
0x198: {  	v8 =	vld [tilespmem:s4+$0x1070];
	[tilespmem:s1+$0xFFFFFFF0] =	vst v3;
	v3 =	vand.u32 $0xFFFF0000, v4;
	v4 =	vadd.s32 $0x8000, v9  }
0x199: {  	v9 =	vld [tilespmem:s12+$0x0];
	v3 =	vor.u32 v5, v3;
	v5 =	vadd.s32 $0x8000, v7;
	v4 =	vshrl.u32 v4, $0x10  }
0x19a: {  	v12 =	vld [tilespmem:s12+$0x1000];
	[tilespmem:s1+$0x0] =	vst v3;
	v3 =	vand.u32 $0xFFFF0000, v5;
	v5 =	vadd.s32 $0x8000, v6  }
0x19b: {  	v6 =	vld [tilespmem:s4+$0x10];
	v3 =	vor.u32 v4, v3;
	v4 =	vadd.s32 $0x8000, v10;
	v5 =	vshrl.u32 v5, $0x10  }
.Ltmp3:
0x19c: {  	v7 =	vld [tilespmem:s4+$0x1010];
	[tilespmem:s1+$0x10] =	vst v3;
	v3 =	vand.u32 $0xFFFF0000, v4;
	(pc) =	sbr.rel @p0 .LBB2_8-.Ltmp3, $4  }
0x19d: {  	v10 =	vadd.s32 $0x8000, v11;
	v4 =	vld [tilespmem:s4+$0x20];
	v8 =	vadd.s32 $0x8000, v8;
	v3 =	vor.u32 v5, v3  }
0x19e: {  	v10 =	vshrl.u32 v10, $0x10;
	v9 =	vadd.s32 $0x8000, v9;
	v5 =	vld [tilespmem:s4+$0x1020];
	v11 =	vand.u32 $0xFFFF0000, v8;
	[tilespmem:s1+$0x20] =	vst v3  }
0x19f: {  	s1 =	sadd.s32 $0x80, s1;
	v12 =	vadd.s32 $0x8000, v12;
	v8 =	vshrl.u32 v9, $0x10;
	v3 =	vld [tilespmem:s4+$0x30];
	v11 =	vor.u32 v10, v11  }
0x1a0: {  	v10 =	vand.u32 $0xFFFF0000, v12;
	v9 =	vadd.s32 $0x8000, v6;
	v6 =	vld [tilespmem:s4+$0x1030];
	[tilespmem:s1+$0x30] =	vst v11  }
0x1a1: {  	v11 =	vld [tilespmem:s4+$0x40]  }
0x1a2: {  	v12 =	vld [tilespmem:s4+$0x1040]  }
0x1a3: {  	v8 =	vor.u32 v8, v10;
	v7 =	vadd.s32 $0x8000, v7;
	v10 =	vld [tilespmem:s4+$0x50]  }
0x1a4: {  	v9 =	vshrl.u32 v9, $0x10;
	v13 =	vld [tilespmem:s4+$0x1050];
	v7 =	vand.u32 $0xFFFF0000, v7;
	v4 =	vadd.s32 $0x8000, v4  }
0x1a5: {  	v14 =	vld [tilespmem:s4+$0x1060];
	v7 =	vor.u32 v9, v7;
	v5 =	vadd.s32 $0x8000, v5;
	v4 =	vshrl.u32 v4, $0x10  }
0x1a6: {  	v9 =	vld [tilespmem:s4+$0x60];
	v5 =	vand.u32 $0xFFFF0000, v5;
	v3 =	vadd.s32 $0x8000, v3;
	v6 =	vadd.s32 $0x8000, v6  }
0x1a7: {  	v4 =	vor.u32 v4, v5;
	v3 =	vshrl.u32 v3, $0x10;
	v5 =	vand.u32 $0xFFFF0000, v6  }
0x1a8: {  	[tilespmem:s1+$0xFFFFFFC0] =	vst v8;
	v6 =	vadd.s32 $0x8000, v12;
	v3 =	vor.u32 v3, v5;
	v5 =	vadd.s32 $0x8000, v11  }
0x1a9: {  	[tilespmem:s1+$0xFFFFFFD0] =	vst v7;
	v7 =	vadd.s32 $0x8000, v10;
	v6 =	vand.u32 $0xFFFF0000, v6;
	v5 =	vshrl.u32 v5, $0x10  }
0x1aa: {  	[tilespmem:s1+$0xFFFFFFE0] =	vst v4;
	v4 =	vor.u32 v5, v6;
	v5 =	vadd.s32 $0x8000, v13;
	v6 =	vshrl.u32 v7, $0x10  }
0x1ab: {  	[tilespmem:s1+$0xFFFFFFF0] =	vst v3;
	v7 =	vadd.s32 $0x8000, v14;
	v3 =	vand.u32 $0xFFFF0000, v5;
	v5 =	vadd.s32 $0x8000, v9  }
0x1ac: {  	[tilespmem:s1+$0x0] =	vst v4;
	v3 =	vor.u32 v6, v3;
	v4 =	vshrl.u32 v5, $0x10;
	v5 =	vand.u32 $0xFFFF0000, v7  }
0x1ad: {  	[tilespmem:s1+$0x10] =	vst v3;
	v3 =	vor.u32 v4, v5  }
0x1ae: {  	[tilespmem:s1+$0x20] =	vst v3  }
0x1af: {  	s0 =	simm.s32 $0x0;
	s1 =	rddreg [dreg:$0x8]  }
0x1b0: {  	[hbm4b:s1+s0] =	stream.linear.scatter [tilespmem:s28], [sflag:$0x4], $0x4000, $0x38;
	[tilespmem:$0x18100] =	vst v63  }
0x1b1: {  	_ =	swait.ge [sflag:s9], $0x8000  }
0x1b2: {  	[sflag:s9] =	ssyncset.done $0x0  }
0x1b3: {  	[sflag:s9] =	ssyncadd.s32 $0xFFFF8000  }
0x1b4: {  	v3 =	vld [tilespmem:$0xA0];
	_ =	sdelay $0x4  }
0x1b5: {  	v4 =	vshll.u32 v3, $0x3  }
0x1b6: {  	v3 =	vand.u32 $0x7, v3;
	v4 =	vand.u32 $0xFFFFFFC0, v4  }
0x1b7: {  	v3 =	vor.u32 v3, v4  }
0x1b8: {  	v4 =	vperm.xlane v3, v0;
	_ =	sdelay $0x1  }
0x1b9: {  	v4 =	vadd.s32 v1, v4;
	_ =	sdelay $0x3  }
0x1ba: {  	s13 =	simm.s32 $0x8100  }
0x1bb: {  	[tilespmem:s13], [sflag:$0x2] =	stream.indirect_vreg.gather [hbm4b:s2+s0], $0x80, v4, vm0, $0xb8;
	[tilespmem:$0x18100] =	vst v63  }
0x1bc: {  	s14 =	simm.s32 $0x8900;
	v3 =	vperm.xlane v3, v2  }
0x1bd: {  	[tilespmem:s14], [sflag:$0x2] =	stream.indirect_vreg.gather [hbm4b:s5+s0], $0x80, v4, vm0, $0xb8;
	[tilespmem:$0x18100] =	vst v63  }
0x1be: {  	s15 =	simm.s32 $0x9100;
	v3 =	vadd.s32 v1, v3  }
0x1bf: {  	[tilespmem:s15], [sflag:$0x2] =	stream.indirect_vreg.gather [hbm4b:s6+s0], $0x80, v4, vm0, $0xb8;
	[tilespmem:$0x18100] =	vst v63  }
0x1c0: {  	s4 =	simm.s32 $0x9900  }
0x1c1: {  	[tilespmem:s4], [sflag:$0x2] =	stream.indirect_vreg.gather [hbm4b:s7+s0], $0x80, v4, vm0, $0xb8;
	[tilespmem:$0x18100] =	vst v63  }
0x1c2: {  	s10 =	simm.s32 $0xA100  }
0x1c3: {  	[tilespmem:s10], [sflag:$0x2] =	stream.indirect_vreg.gather [hbm4b:s2+s0], $0x80, v3, vm0, $0xb8;
	[tilespmem:$0x18100] =	vst v63  }
0x1c4: {  	s11 =	simm.s32 $0xA900  }
0x1c5: {  	[tilespmem:s11], [sflag:$0x2] =	stream.indirect_vreg.gather [hbm4b:s5+s0], $0x80, v3, vm0, $0xb8;
	[tilespmem:$0x18100] =	vst v63  }
0x1c6: {  	_ = 	snop  }
0x1c7: {  	[tilespmem:s16], [sflag:$0x2] =	stream.indirect_vreg.gather [hbm4b:s6+s0], $0x80, v3, vm0, $0xb8;
	[tilespmem:$0x18100] =	vst v63  }
0x1c8: {  	_ = 	snop  }
0x1c9: {  	[tilespmem:s8], [sflag:$0x2] =	stream.indirect_vreg.gather [hbm4b:s7+s0], $0x80, v3, vm0, $0xb8;
	[tilespmem:$0x18100] =	vst v63  }
0x1ca: {  	v3 =	vld [tilespmem:$0xB0];
	_ =	sdelay $0x4  }
0x1cb: {  	v4 =	vshll.u32 v3, $0x3  }
0x1cc: {  	v3 =	vand.u32 $0x7, v3;
	v4 =	vand.u32 $0xFFFFFFC0, v4  }
0x1cd: {  	v3 =	vor.u32 v3, v4  }
0x1ce: {  	v4 =	vperm.xlane v3, v0;
	_ =	sdelay $0x1  }
0x1cf: {  	v4 =	vadd.s32 v1, v4;
	_ =	sdelay $0x4  }
0x1d0: {  	[tilespmem:s17], [sflag:$0x2] =	stream.indirect_vreg.gather [hbm4b:s2+s0], $0x80, v4, vm0, $0xb8;
	[tilespmem:$0x18100] =	vst v63  }
0x1d1: {  	v3 =	vperm.xlane v3, v2  }
0x1d2: {  	[tilespmem:s18], [sflag:$0x2] =	stream.indirect_vreg.gather [hbm4b:s5+s0], $0x80, v4, vm0, $0xb8;
	[tilespmem:$0x18100] =	vst v63  }
0x1d3: {  	v3 =	vadd.s32 v1, v3  }
0x1d4: {  	[tilespmem:s19], [sflag:$0x2] =	stream.indirect_vreg.gather [hbm4b:s6+s0], $0x80, v4, vm0, $0xb8;
	[tilespmem:$0x18100] =	vst v63  }
0x1d5: {  	_ = 	snop  }
0x1d6: {  	[tilespmem:s20], [sflag:$0x2] =	stream.indirect_vreg.gather [hbm4b:s7+s0], $0x80, v4, vm0, $0xb8;
	[tilespmem:$0x18100] =	vst v63  }
0x1d7: {  	_ = 	snop  }
0x1d8: {  	[tilespmem:s21], [sflag:$0x2] =	stream.indirect_vreg.gather [hbm4b:s2+s0], $0x80, v3, vm0, $0xb8;
	[tilespmem:$0x18100] =	vst v63  }
0x1d9: {  	s12 =	simm.s32 $0x0  }
0x1da: {  	[tilespmem:s22], [sflag:$0x2] =	stream.indirect_vreg.gather [hbm4b:s5+s0], $0x80, v3, vm0, $0xb8;
	[tilespmem:$0x18100] =	vst v63  }
0x1db: {  	s1 =	sand.u32 $0x6000, s12  }
0x1dc: {  	[tilespmem:s23], [sflag:$0x2] =	stream.indirect_vreg.gather [hbm4b:s6+s0], $0x80, v3, vm0, $0xb8;
	[tilespmem:$0x18100] =	vst v63  }
0x1dd: {  	s1 =	sor.u32 $0x100, s1;
	s13 =	simm.s32 $0x0  }
0x1de: {  	[tilespmem:s24], [sflag:$0x2] =	stream.indirect_vreg.gather [hbm4b:s7+s0], $0x80, v3, vm0, $0xb8;
	[tilespmem:$0x18100] =	vst v63  }
0x1df: {  	s12 =	sand.u32 $0x380, s13;
	s10 =	sand.u32 $0xC00, s0;
	_ =	swait.ge [sflag:s29], $0x4000  }
0x1e0: {  	s14 =	sor.u32 s10, s1;
	s11 =	sand.u32 $0x3000, s0;
	[sflag:s29] =	ssyncset.done $0x0  }
0x1e1: {  	s4 =	sadd.s32 s12, s14;
	s15 =	sshrl.u32 s11, $0x2;
	[sflag:s29] =	ssyncadd.s32 $0xFFFFC000  }
0x1e2: {  	s1 =	sor.u32 s15, s1;
	v3 =	vld [tilespmem:s4+$0x70]  }
0x1e3: {  	s1 =	sadd.s32 s12, s1;
	v5 =	vld [tilespmem:s4+$0x1070]  }
0x1e4: {  	v6 =	vld [tilespmem:s1+$0x0]  }
0x1e5: {  	v8 =	vld [tilespmem:s1+$0x1000]  }
0x1e6: {  	v9 =	vld [tilespmem:s4+$0x10]  }
0x1e7: {  	v7 =	vld [tilespmem:s4+$0x1010]  }
0x1e8: {  	v4 =	vld [tilespmem:s4+$0x20];
	v3 =	vadd.s32 $0x8000, v3;
	v10 =	vadd.s32 $0x8000, v5  }
0x1e9: {  	v5 =	vld [tilespmem:s4+$0x1020];
	v11 =	vshrl.u32 v3, $0x10;
	v10 =	vand.u32 $0xFFFF0000, v10  }
0x1ea: {  	s1 =	simm.s32 $0x10140;
	v6 =	vadd.s32 $0x8000, v6;
	v63 =	vadd.s32 $0x8000, v8;
	v3 =	vld [tilespmem:s4+$0x30];
	v11 =	vor.u32 v11, v10  }
0x1eb: {  	s10 =	simm.s32 $0x0;
	s11 =	simm.s32 $0x0;
	v9 =	vadd.s32 $0x8000, v9;
	v8 =	vshrl.u32 v6, $0x10;
	v6 =	vld [tilespmem:s4+$0x1030];
	v10 =	vand.u32 $0xFFFF0000, v63;
	[tilespmem:s1+$0x30] =	vst v11  }
.LBB2_10:
0x1ec: {  	s10 =	sadd.s32 $0x8, s10;
	v8 =	vor.u32 v8, v10;
	v7 =	vadd.s32 $0x8000, v7;
	v9 =	vshrl.u32 v9, $0x10;
	v10 =	vld [tilespmem:s4+$0x40];
	s0 =	sadd.s32 $0x1000, s0  }
0x1ed: {  	s12 =	sand.u32 $0x3000, s0;
	s13 =	sshll.u32 s10, $0x5;
	p0 =	slt.u32 s10, $0x3F8;
	[tilespmem:s1+$0xFFFFFFC0] =	vst v8;
	v7 =	vand.u32 $0xFFFF0000, v7;
	v4 =	vadd.s32 $0x8000, v4;
	v8 =	vld [tilespmem:s4+$0x1040]  }
0x1ee: {  	s11 =	sadd.s32 $0x400, s11;
	s13 =	sand.u32 $0x6000, s13;
	s12 =	sshrl.u32 s12, $0x2;
	v7 =	vor.u32 v9, v7;
	v5 =	vadd.s32 $0x8000, v5;
	v4 =	vshrl.u32 v4, $0x10;
	v9 =	vld [tilespmem:s4+$0x50]  }
0x1ef: {  	s14 =	sshll.u32 s10, $0x2;
	s15 =	sand.u32 $0xC00, s11;
	s13 =	sor.u32 $0x100, s13;
	[tilespmem:s1+$0xFFFFFFD0] =	vst v7;
	v5 =	vand.u32 $0xFFFF0000, v5;
	v3 =	vadd.s32 $0x8000, v3;
	v7 =	vld [tilespmem:s4+$0x1050]  }
0x1f0: {  	s14 =	sand.u32 $0x380, s14;
	s12 =	sor.u32 s12, s13;
	s13 =	sor.u32 s15, s13;
	v4 =	vor.u32 v4, v5;
	v5 =	vadd.s32 $0x8000, v6;
	v3 =	vshrl.u32 v3, $0x10;
	v6 =	vld [tilespmem:s4+$0x60]  }
0x1f1: {  	s12 =	sadd.s32 s14, s12;
	[tilespmem:s1+$0xFFFFFFE0] =	vst v4;
	v4 =	vand.u32 $0xFFFF0000, v5;
	v5 =	vadd.s32 $0x8000, v10;
	v10 =	vld [tilespmem:s4+$0x1060];
	s4 =	sadd.s32 s14, s13  }
0x1f2: {  	v11 =	vld [tilespmem:s4+$0x70];
	v3 =	vor.u32 v3, v4;
	v4 =	vadd.s32 $0x8000, v8;
	v5 =	vshrl.u32 v5, $0x10  }
0x1f3: {  	v8 =	vld [tilespmem:s4+$0x1070];
	[tilespmem:s1+$0xFFFFFFF0] =	vst v3;
	v3 =	vand.u32 $0xFFFF0000, v4;
	v4 =	vadd.s32 $0x8000, v9  }
0x1f4: {  	v9 =	vld [tilespmem:s12+$0x0];
	v3 =	vor.u32 v5, v3;
	v5 =	vadd.s32 $0x8000, v7;
	v4 =	vshrl.u32 v4, $0x10  }
0x1f5: {  	v12 =	vld [tilespmem:s12+$0x1000];
	[tilespmem:s1+$0x0] =	vst v3;
	v3 =	vand.u32 $0xFFFF0000, v5;
	v5 =	vadd.s32 $0x8000, v6  }
0x1f6: {  	v6 =	vld [tilespmem:s4+$0x10];
	v3 =	vor.u32 v4, v3;
	v4 =	vadd.s32 $0x8000, v10;
	v5 =	vshrl.u32 v5, $0x10  }
.Ltmp4:
0x1f7: {  	v7 =	vld [tilespmem:s4+$0x1010];
	[tilespmem:s1+$0x10] =	vst v3;
	v3 =	vand.u32 $0xFFFF0000, v4;
	(pc) =	sbr.rel @p0 .LBB2_10-.Ltmp4, $4  }
0x1f8: {  	v10 =	vadd.s32 $0x8000, v11;
	v4 =	vld [tilespmem:s4+$0x20];
	v8 =	vadd.s32 $0x8000, v8;
	v3 =	vor.u32 v5, v3  }
0x1f9: {  	v10 =	vshrl.u32 v10, $0x10;
	v9 =	vadd.s32 $0x8000, v9;
	v5 =	vld [tilespmem:s4+$0x1020];
	v11 =	vand.u32 $0xFFFF0000, v8;
	[tilespmem:s1+$0x20] =	vst v3  }
0x1fa: {  	s1 =	sadd.s32 $0x80, s1;
	v12 =	vadd.s32 $0x8000, v12;
	v8 =	vshrl.u32 v9, $0x10;
	v3 =	vld [tilespmem:s4+$0x30];
	v11 =	vor.u32 v10, v11  }
0x1fb: {  	v10 =	vand.u32 $0xFFFF0000, v12;
	v9 =	vadd.s32 $0x8000, v6;
	v6 =	vld [tilespmem:s4+$0x1030];
	[tilespmem:s1+$0x30] =	vst v11  }
0x1fc: {  	v11 =	vld [tilespmem:s4+$0x40]  }
0x1fd: {  	v12 =	vld [tilespmem:s4+$0x1040]  }
0x1fe: {  	v8 =	vor.u32 v8, v10;
	v7 =	vadd.s32 $0x8000, v7;
	v10 =	vld [tilespmem:s4+$0x50]  }
0x1ff: {  	v9 =	vshrl.u32 v9, $0x10;
	v13 =	vld [tilespmem:s4+$0x1050];
	v7 =	vand.u32 $0xFFFF0000, v7;
	v4 =	vadd.s32 $0x8000, v4  }
0x200: {  	v14 =	vld [tilespmem:s4+$0x1060];
	v7 =	vor.u32 v9, v7;
	v5 =	vadd.s32 $0x8000, v5;
	v4 =	vshrl.u32 v4, $0x10  }
0x201: {  	v9 =	vld [tilespmem:s4+$0x60];
	v5 =	vand.u32 $0xFFFF0000, v5;
	v3 =	vadd.s32 $0x8000, v3;
	v6 =	vadd.s32 $0x8000, v6  }
0x202: {  	v4 =	vor.u32 v4, v5;
	v3 =	vshrl.u32 v3, $0x10;
	v5 =	vand.u32 $0xFFFF0000, v6  }
0x203: {  	[tilespmem:s1+$0xFFFFFFC0] =	vst v8;
	v6 =	vadd.s32 $0x8000, v12;
	v3 =	vor.u32 v3, v5;
	v5 =	vadd.s32 $0x8000, v11  }
0x204: {  	[tilespmem:s1+$0xFFFFFFD0] =	vst v7;
	v7 =	vadd.s32 $0x8000, v10;
	v6 =	vand.u32 $0xFFFF0000, v6;
	v5 =	vshrl.u32 v5, $0x10  }
0x205: {  	[tilespmem:s1+$0xFFFFFFE0] =	vst v4;
	v4 =	vor.u32 v5, v6;
	v5 =	vadd.s32 $0x8000, v13;
	v6 =	vshrl.u32 v7, $0x10  }
0x206: {  	[tilespmem:s1+$0xFFFFFFF0] =	vst v3;
	v7 =	vadd.s32 $0x8000, v14;
	v3 =	vand.u32 $0xFFFF0000, v5;
	v5 =	vadd.s32 $0x8000, v9  }
0x207: {  	[tilespmem:s1+$0x0] =	vst v4;
	v3 =	vor.u32 v6, v3;
	v4 =	vshrl.u32 v5, $0x10;
	v5 =	vand.u32 $0xFFFF0000, v7  }
0x208: {  	[tilespmem:s1+$0x10] =	vst v3;
	v3 =	vor.u32 v4, v5  }
0x209: {  	[tilespmem:s1+$0x20] =	vst v3  }
0x20a: {  	s0 =	simm.s32 $0x0;
	s1 =	rddreg [dreg:$0x9]  }
0x20b: {  	[hbm4b:s1+s0] =	stream.linear.scatter [tilespmem:s25], [sflag:$0x3], $0x4000, $0x38;
	[tilespmem:$0x18100] =	vst v63  }
0x20c: {  	_ =	swait.ge [sflag:s26], $0x8000  }
0x20d: {  	[sflag:s26] =	ssyncset.done $0x0  }
0x20e: {  	[sflag:s26] =	ssyncadd.s32 $0xFFFF8000  }
0x20f: {  	v3 =	vld [tilespmem:$0xC0];
	_ =	sdelay $0x4  }
0x210: {  	v4 =	vshll.u32 v3, $0x3  }
0x211: {  	v3 =	vand.u32 $0x7, v3;
	v4 =	vand.u32 $0xFFFFFFC0, v4  }
0x212: {  	v3 =	vor.u32 v3, v4  }
0x213: {  	v4 =	vperm.xlane v3, v0;
	_ =	sdelay $0x1  }
0x214: {  	v4 =	vadd.s32 v1, v4;
	_ =	sdelay $0x3  }
0x215: {  	s10 =	simm.s32 $0x100  }
0x216: {  	[tilespmem:s10], [sflag:$0x1] =	stream.indirect_vreg.gather [hbm4b:s2+s0], $0x80, v4, vm0, $0xb8;
	[tilespmem:$0x18100] =	vst v63  }
0x217: {  	s11 =	simm.s32 $0x900;
	v3 =	vperm.xlane v3, v2  }
0x218: {  	[tilespmem:s11], [sflag:$0x1] =	stream.indirect_vreg.gather [hbm4b:s5+s0], $0x80, v4, vm0, $0xb8;
	[tilespmem:$0x18100] =	vst v63  }
0x219: {  	s12 =	simm.s32 $0x1100;
	v3 =	vadd.s32 v1, v3  }
0x21a: {  	[tilespmem:s12], [sflag:$0x1] =	stream.indirect_vreg.gather [hbm4b:s6+s0], $0x80, v4, vm0, $0xb8;
	[tilespmem:$0x18100] =	vst v63  }
0x21b: {  	s13 =	simm.s32 $0x1900  }
0x21c: {  	[tilespmem:s13], [sflag:$0x1] =	stream.indirect_vreg.gather [hbm4b:s7+s0], $0x80, v4, vm0, $0xb8;
	[tilespmem:$0x18100] =	vst v63  }
0x21d: {  	s14 =	simm.s32 $0x2100  }
0x21e: {  	[tilespmem:s14], [sflag:$0x1] =	stream.indirect_vreg.gather [hbm4b:s2+s0], $0x80, v3, vm0, $0xb8;
	[tilespmem:$0x18100] =	vst v63  }
0x21f: {  	s15 =	simm.s32 $0x2900  }
0x220: {  	[tilespmem:s15], [sflag:$0x1] =	stream.indirect_vreg.gather [hbm4b:s5+s0], $0x80, v3, vm0, $0xb8;
	[tilespmem:$0x18100] =	vst v63  }
0x221: {  	s4 =	simm.s32 $0x3100  }
0x222: {  	[tilespmem:s4], [sflag:$0x1] =	stream.indirect_vreg.gather [hbm4b:s6+s0], $0x80, v3, vm0, $0xb8;
	[tilespmem:$0x18100] =	vst v63  }
0x223: {  	s10 =	simm.s32 $0x3900  }
0x224: {  	[tilespmem:s10], [sflag:$0x1] =	stream.indirect_vreg.gather [hbm4b:s7+s0], $0x80, v3, vm0, $0xb8;
	[tilespmem:$0x18100] =	vst v63  }
0x225: {  	v3 =	vld [tilespmem:$0xD0];
	_ =	sdelay $0x4  }
0x226: {  	v4 =	vshll.u32 v3, $0x3  }
0x227: {  	v3 =	vand.u32 $0x7, v3;
	v4 =	vand.u32 $0xFFFFFFC0, v4  }
0x228: {  	v3 =	vor.u32 v3, v4  }
0x229: {  	v4 =	vperm.xlane v3, v0;
	_ =	sdelay $0x1  }
0x22a: {  	v4 =	vadd.s32 v1, v4;
	_ =	sdelay $0x3  }
0x22b: {  	s11 =	simm.s32 $0x4100  }
0x22c: {  	[tilespmem:s11], [sflag:$0x1] =	stream.indirect_vreg.gather [hbm4b:s2+s0], $0x80, v4, vm0, $0xb8;
	[tilespmem:$0x18100] =	vst v63  }
0x22d: {  	s12 =	simm.s32 $0x4900;
	v3 =	vperm.xlane v3, v2  }
0x22e: {  	[tilespmem:s12], [sflag:$0x1] =	stream.indirect_vreg.gather [hbm4b:s5+s0], $0x80, v4, vm0, $0xb8;
	[tilespmem:$0x18100] =	vst v63  }
0x22f: {  	s13 =	simm.s32 $0x5100;
	v3 =	vadd.s32 v1, v3  }
0x230: {  	[tilespmem:s13], [sflag:$0x1] =	stream.indirect_vreg.gather [hbm4b:s6+s0], $0x80, v4, vm0, $0xb8;
	[tilespmem:$0x18100] =	vst v63  }
0x231: {  	s14 =	simm.s32 $0x5900  }
0x232: {  	[tilespmem:s14], [sflag:$0x1] =	stream.indirect_vreg.gather [hbm4b:s7+s0], $0x80, v4, vm0, $0xb8;
	[tilespmem:$0x18100] =	vst v63  }
0x233: {  	s15 =	simm.s32 $0x6100  }
0x234: {  	[tilespmem:s15], [sflag:$0x1] =	stream.indirect_vreg.gather [hbm4b:s2+s0], $0x80, v3, vm0, $0xb8;
	[tilespmem:$0x18100] =	vst v63  }
0x235: {  	s4 =	simm.s32 $0x6900;
	s12 =	simm.s32 $0x0  }
0x236: {  	[tilespmem:s4], [sflag:$0x1] =	stream.indirect_vreg.gather [hbm4b:s5+s0], $0x80, v3, vm0, $0xb8;
	[tilespmem:$0x18100] =	vst v63  }
0x237: {  	s10 =	simm.s32 $0x7100;
	s1 =	sand.u32 $0x6000, s12  }
0x238: {  	[tilespmem:s10], [sflag:$0x1] =	stream.indirect_vreg.gather [hbm4b:s6+s0], $0x80, v3, vm0, $0xb8;
	[tilespmem:$0x18100] =	vst v63  }
0x239: {  	s11 =	simm.s32 $0x7900;
	s13 =	simm.s32 $0x0;
	s1 =	sor.u32 $0x8100, s1  }
0x23a: {  	[tilespmem:s11], [sflag:$0x1] =	stream.indirect_vreg.gather [hbm4b:s7+s0], $0x80, v3, vm0, $0xb8;
	[tilespmem:$0x18100] =	vst v63  }
0x23b: {  	s12 =	sand.u32 $0x380, s13;
	s10 =	sand.u32 $0xC00, s0;
	_ =	swait.ge [sflag:s30], $0x4000  }
0x23c: {  	s14 =	sor.u32 s10, s1;
	s11 =	sand.u32 $0x3000, s0;
	[sflag:s30] =	ssyncset.done $0x0  }
0x23d: {  	s4 =	sadd.s32 s12, s14;
	s15 =	sshrl.u32 s11, $0x2;
	[sflag:s30] =	ssyncadd.s32 $0xFFFFC000  }
0x23e: {  	s1 =	sor.u32 s15, s1;
	v3 =	vld [tilespmem:s4+$0x70]  }
0x23f: {  	s1 =	sadd.s32 s12, s1;
	v5 =	vld [tilespmem:s4+$0x1070]  }
0x240: {  	v6 =	vld [tilespmem:s1+$0x0]  }
0x241: {  	v8 =	vld [tilespmem:s1+$0x1000]  }
0x242: {  	v9 =	vld [tilespmem:s4+$0x10]  }
0x243: {  	v7 =	vld [tilespmem:s4+$0x1010]  }
0x244: {  	v4 =	vld [tilespmem:s4+$0x20];
	v3 =	vadd.s32 $0x8000, v3;
	v10 =	vadd.s32 $0x8000, v5  }
0x245: {  	v5 =	vld [tilespmem:s4+$0x1020];
	v11 =	vshrl.u32 v3, $0x10;
	v10 =	vand.u32 $0xFFFF0000, v10  }
0x246: {  	s1 =	simm.s32 $0x14140;
	v6 =	vadd.s32 $0x8000, v6;
	v63 =	vadd.s32 $0x8000, v8;
	v3 =	vld [tilespmem:s4+$0x30];
	v11 =	vor.u32 v11, v10  }
0x247: {  	s10 =	simm.s32 $0x0;
	s11 =	simm.s32 $0x0;
	v9 =	vadd.s32 $0x8000, v9;
	v8 =	vshrl.u32 v6, $0x10;
	v6 =	vld [tilespmem:s4+$0x1030];
	v10 =	vand.u32 $0xFFFF0000, v63;
	[tilespmem:s1+$0x30] =	vst v11  }
.LBB2_12:
0x248: {  	s10 =	sadd.s32 $0x8, s10;
	v8 =	vor.u32 v8, v10;
	v7 =	vadd.s32 $0x8000, v7;
	v9 =	vshrl.u32 v9, $0x10;
	v10 =	vld [tilespmem:s4+$0x40];
	s0 =	sadd.s32 $0x1000, s0  }
0x249: {  	s12 =	sand.u32 $0x3000, s0;
	s13 =	sshll.u32 s10, $0x5;
	p0 =	slt.u32 s10, $0x3F8;
	[tilespmem:s1+$0xFFFFFFC0] =	vst v8;
	v7 =	vand.u32 $0xFFFF0000, v7;
	v4 =	vadd.s32 $0x8000, v4;
	v8 =	vld [tilespmem:s4+$0x1040]  }
0x24a: {  	s11 =	sadd.s32 $0x400, s11;
	s13 =	sand.u32 $0x6000, s13;
	s12 =	sshrl.u32 s12, $0x2;
	v7 =	vor.u32 v9, v7;
	v5 =	vadd.s32 $0x8000, v5;
	v4 =	vshrl.u32 v4, $0x10;
	v9 =	vld [tilespmem:s4+$0x50]  }
0x24b: {  	s14 =	sshll.u32 s10, $0x2;
	s15 =	sand.u32 $0xC00, s11;
	s13 =	sor.u32 $0x8100, s13;
	[tilespmem:s1+$0xFFFFFFD0] =	vst v7;
	v5 =	vand.u32 $0xFFFF0000, v5;
	v3 =	vadd.s32 $0x8000, v3;
	v7 =	vld [tilespmem:s4+$0x1050]  }
0x24c: {  	s14 =	sand.u32 $0x380, s14;
	s12 =	sor.u32 s12, s13;
	s13 =	sor.u32 s15, s13;
	v4 =	vor.u32 v4, v5;
	v5 =	vadd.s32 $0x8000, v6;
	v3 =	vshrl.u32 v3, $0x10;
	v6 =	vld [tilespmem:s4+$0x60]  }
0x24d: {  	s12 =	sadd.s32 s14, s12;
	[tilespmem:s1+$0xFFFFFFE0] =	vst v4;
	v4 =	vand.u32 $0xFFFF0000, v5;
	v5 =	vadd.s32 $0x8000, v10;
	v10 =	vld [tilespmem:s4+$0x1060];
	s4 =	sadd.s32 s14, s13  }
0x24e: {  	v11 =	vld [tilespmem:s4+$0x70];
	v3 =	vor.u32 v3, v4;
	v4 =	vadd.s32 $0x8000, v8;
	v5 =	vshrl.u32 v5, $0x10  }
0x24f: {  	v8 =	vld [tilespmem:s4+$0x1070];
	[tilespmem:s1+$0xFFFFFFF0] =	vst v3;
	v3 =	vand.u32 $0xFFFF0000, v4;
	v4 =	vadd.s32 $0x8000, v9  }
0x250: {  	v9 =	vld [tilespmem:s12+$0x0];
	v3 =	vor.u32 v5, v3;
	v5 =	vadd.s32 $0x8000, v7;
	v4 =	vshrl.u32 v4, $0x10  }
0x251: {  	v12 =	vld [tilespmem:s12+$0x1000];
	[tilespmem:s1+$0x0] =	vst v3;
	v3 =	vand.u32 $0xFFFF0000, v5;
	v5 =	vadd.s32 $0x8000, v6  }
0x252: {  	v6 =	vld [tilespmem:s4+$0x10];
	v3 =	vor.u32 v4, v3;
	v4 =	vadd.s32 $0x8000, v10;
	v5 =	vshrl.u32 v5, $0x10  }
.Ltmp5:
0x253: {  	v7 =	vld [tilespmem:s4+$0x1010];
	[tilespmem:s1+$0x10] =	vst v3;
	v3 =	vand.u32 $0xFFFF0000, v4;
	(pc) =	sbr.rel @p0 .LBB2_12-.Ltmp5, $4  }
0x254: {  	v10 =	vadd.s32 $0x8000, v11;
	v4 =	vld [tilespmem:s4+$0x20];
	v8 =	vadd.s32 $0x8000, v8;
	v3 =	vor.u32 v5, v3  }
0x255: {  	v10 =	vshrl.u32 v10, $0x10;
	v9 =	vadd.s32 $0x8000, v9;
	v5 =	vld [tilespmem:s4+$0x1020];
	v11 =	vand.u32 $0xFFFF0000, v8;
	[tilespmem:s1+$0x20] =	vst v3  }
0x256: {  	s1 =	sadd.s32 $0x80, s1;
	v12 =	vadd.s32 $0x8000, v12;
	v8 =	vshrl.u32 v9, $0x10;
	v3 =	vld [tilespmem:s4+$0x30];
	v11 =	vor.u32 v10, v11  }
0x257: {  	v10 =	vand.u32 $0xFFFF0000, v12;
	v9 =	vadd.s32 $0x8000, v6;
	v6 =	vld [tilespmem:s4+$0x1030];
	[tilespmem:s1+$0x30] =	vst v11  }
0x258: {  	v11 =	vld [tilespmem:s4+$0x40]  }
0x259: {  	v12 =	vld [tilespmem:s4+$0x1040]  }
0x25a: {  	v8 =	vor.u32 v8, v10;
	v7 =	vadd.s32 $0x8000, v7;
	v10 =	vld [tilespmem:s4+$0x50]  }
0x25b: {  	v9 =	vshrl.u32 v9, $0x10;
	v13 =	vld [tilespmem:s4+$0x1050];
	v7 =	vand.u32 $0xFFFF0000, v7;
	v4 =	vadd.s32 $0x8000, v4  }
0x25c: {  	v14 =	vld [tilespmem:s4+$0x1060];
	v7 =	vor.u32 v9, v7;
	v5 =	vadd.s32 $0x8000, v5;
	v4 =	vshrl.u32 v4, $0x10  }
0x25d: {  	v9 =	vld [tilespmem:s4+$0x60];
	v5 =	vand.u32 $0xFFFF0000, v5;
	v3 =	vadd.s32 $0x8000, v3;
	v6 =	vadd.s32 $0x8000, v6  }
0x25e: {  	v4 =	vor.u32 v4, v5;
	v3 =	vshrl.u32 v3, $0x10;
	v5 =	vand.u32 $0xFFFF0000, v6  }
0x25f: {  	[tilespmem:s1+$0xFFFFFFC0] =	vst v8;
	v6 =	vadd.s32 $0x8000, v12;
	v3 =	vor.u32 v3, v5;
	v5 =	vadd.s32 $0x8000, v11  }
0x260: {  	[tilespmem:s1+$0xFFFFFFD0] =	vst v7;
	v7 =	vadd.s32 $0x8000, v10;
	v6 =	vand.u32 $0xFFFF0000, v6;
	v5 =	vshrl.u32 v5, $0x10  }
0x261: {  	[tilespmem:s1+$0xFFFFFFE0] =	vst v4;
	v4 =	vor.u32 v5, v6;
	v5 =	vadd.s32 $0x8000, v13;
	v6 =	vshrl.u32 v7, $0x10  }
0x262: {  	[tilespmem:s1+$0xFFFFFFF0] =	vst v3;
	v7 =	vadd.s32 $0x8000, v14;
	v3 =	vand.u32 $0xFFFF0000, v5;
	v5 =	vadd.s32 $0x8000, v9  }
0x263: {  	[tilespmem:s1+$0x0] =	vst v4;
	v3 =	vor.u32 v6, v3;
	v4 =	vshrl.u32 v5, $0x10;
	v5 =	vand.u32 $0xFFFF0000, v7  }
0x264: {  	[tilespmem:s1+$0x10] =	vst v3;
	v3 =	vor.u32 v4, v5  }
0x265: {  	[tilespmem:s1+$0x20] =	vst v3  }
0x266: {  	s0 =	simm.s32 $0x0;
	s1 =	rddreg [dreg:$0xa]  }
0x267: {  	[hbm4b:s1+s0] =	stream.linear.scatter [tilespmem:s28], [sflag:$0x4], $0x4000, $0x38;
	[tilespmem:$0x18100] =	vst v63  }
0x268: {  	_ =	swait.ge [sflag:s9], $0x8000  }
0x269: {  	[sflag:s9] =	ssyncset.done $0x0  }
0x26a: {  	[sflag:s9] =	ssyncadd.s32 $0xFFFF8000  }
0x26b: {  	v3 =	vld [tilespmem:$0xE0];
	_ =	sdelay $0x4  }
0x26c: {  	v4 =	vshll.u32 v3, $0x3  }
0x26d: {  	v3 =	vand.u32 $0x7, v3;
	v4 =	vand.u32 $0xFFFFFFC0, v4  }
0x26e: {  	v3 =	vor.u32 v3, v4  }
0x26f: {  	v4 =	vperm.xlane v3, v0;
	_ =	sdelay $0x1  }
0x270: {  	v4 =	vadd.s32 v1, v4;
	_ =	sdelay $0x3  }
0x271: {  	s13 =	simm.s32 $0x8100  }
0x272: {  	[tilespmem:s13], [sflag:$0x2] =	stream.indirect_vreg.gather [hbm4b:s2+s0], $0x80, v4, vm0, $0xb8;
	[tilespmem:$0x18100] =	vst v63  }
0x273: {  	s14 =	simm.s32 $0x8900;
	v3 =	vperm.xlane v3, v2  }
0x274: {  	[tilespmem:s14], [sflag:$0x2] =	stream.indirect_vreg.gather [hbm4b:s5+s0], $0x80, v4, vm0, $0xb8;
	[tilespmem:$0x18100] =	vst v63  }
0x275: {  	s15 =	simm.s32 $0x9100;
	v3 =	vadd.s32 v1, v3  }
0x276: {  	[tilespmem:s15], [sflag:$0x2] =	stream.indirect_vreg.gather [hbm4b:s6+s0], $0x80, v4, vm0, $0xb8;
	[tilespmem:$0x18100] =	vst v63  }
0x277: {  	s4 =	simm.s32 $0x9900  }
0x278: {  	[tilespmem:s4], [sflag:$0x2] =	stream.indirect_vreg.gather [hbm4b:s7+s0], $0x80, v4, vm0, $0xb8;
	[tilespmem:$0x18100] =	vst v63  }
0x279: {  	s10 =	simm.s32 $0xA100  }
0x27a: {  	[tilespmem:s10], [sflag:$0x2] =	stream.indirect_vreg.gather [hbm4b:s2+s0], $0x80, v3, vm0, $0xb8;
	[tilespmem:$0x18100] =	vst v63  }
0x27b: {  	s11 =	simm.s32 $0xA900  }
0x27c: {  	[tilespmem:s11], [sflag:$0x2] =	stream.indirect_vreg.gather [hbm4b:s5+s0], $0x80, v3, vm0, $0xb8;
	[tilespmem:$0x18100] =	vst v63  }
0x27d: {  	_ = 	snop  }
0x27e: {  	[tilespmem:s16], [sflag:$0x2] =	stream.indirect_vreg.gather [hbm4b:s6+s0], $0x80, v3, vm0, $0xb8;
	[tilespmem:$0x18100] =	vst v63  }
0x27f: {  	_ = 	snop  }
0x280: {  	[tilespmem:s8], [sflag:$0x2] =	stream.indirect_vreg.gather [hbm4b:s7+s0], $0x80, v3, vm0, $0xb8;
	[tilespmem:$0x18100] =	vst v63  }
0x281: {  	v3 =	vld [tilespmem:$0xF0];
	_ =	sdelay $0x4  }
0x282: {  	v4 =	vshll.u32 v3, $0x3  }
0x283: {  	v3 =	vand.u32 $0x7, v3;
	v4 =	vand.u32 $0xFFFFFFC0, v4  }
0x284: {  	v3 =	vor.u32 v3, v4  }
0x285: {  	v4 =	vperm.xlane v3, v0;
	_ =	sdelay $0x1  }
0x286: {  	v4 =	vadd.s32 v1, v4;
	_ =	sdelay $0x4  }
0x287: {  	[tilespmem:s17], [sflag:$0x2] =	stream.indirect_vreg.gather [hbm4b:s2+s0], $0x80, v4, vm0, $0xb8;
	[tilespmem:$0x18100] =	vst v63  }
0x288: {  	v3 =	vperm.xlane v3, v2  }
0x289: {  	[tilespmem:s18], [sflag:$0x2] =	stream.indirect_vreg.gather [hbm4b:s5+s0], $0x80, v4, vm0, $0xb8;
	[tilespmem:$0x18100] =	vst v63  }
0x28a: {  	v3 =	vadd.s32 v1, v3  }
0x28b: {  	[tilespmem:s19], [sflag:$0x2] =	stream.indirect_vreg.gather [hbm4b:s6+s0], $0x80, v4, vm0, $0xb8;
	[tilespmem:$0x18100] =	vst v63  }
0x28c: {  	_ = 	snop  }
0x28d: {  	[tilespmem:s20], [sflag:$0x2] =	stream.indirect_vreg.gather [hbm4b:s7+s0], $0x80, v4, vm0, $0xb8;
	[tilespmem:$0x18100] =	vst v63  }
0x28e: {  	_ = 	snop  }
0x28f: {  	[tilespmem:s21], [sflag:$0x2] =	stream.indirect_vreg.gather [hbm4b:s2+s0], $0x80, v3, vm0, $0xb8;
	[tilespmem:$0x18100] =	vst v63  }
0x290: {  	s12 =	simm.s32 $0x0  }
0x291: {  	[tilespmem:s22], [sflag:$0x2] =	stream.indirect_vreg.gather [hbm4b:s5+s0], $0x80, v3, vm0, $0xb8;
	[tilespmem:$0x18100] =	vst v63  }
0x292: {  	s1 =	sand.u32 $0x6000, s12  }
0x293: {  	[tilespmem:s23], [sflag:$0x2] =	stream.indirect_vreg.gather [hbm4b:s6+s0], $0x80, v3, vm0, $0xb8;
	[tilespmem:$0x18100] =	vst v63  }
0x294: {  	s1 =	sor.u32 $0x100, s1;
	s13 =	simm.s32 $0x0  }
0x295: {  	[tilespmem:s24], [sflag:$0x2] =	stream.indirect_vreg.gather [hbm4b:s7+s0], $0x80, v3, vm0, $0xb8;
	[tilespmem:$0x18100] =	vst v63  }
0x296: {  	s12 =	sand.u32 $0x380, s13;
	s10 =	sand.u32 $0xC00, s0;
	_ =	swait.ge [sflag:s29], $0x4000  }
0x297: {  	s14 =	sor.u32 s10, s1;
	s11 =	sand.u32 $0x3000, s0;
	[sflag:s29] =	ssyncset.done $0x0  }
0x298: {  	s4 =	sadd.s32 s12, s14;
	s15 =	sshrl.u32 s11, $0x2;
	[sflag:s29] =	ssyncadd.s32 $0xFFFFC000  }
0x299: {  	s1 =	sor.u32 s15, s1;
	v3 =	vld [tilespmem:s4+$0x70]  }
0x29a: {  	s1 =	sadd.s32 s12, s1;
	v5 =	vld [tilespmem:s4+$0x1070]  }
0x29b: {  	v6 =	vld [tilespmem:s1+$0x0]  }
0x29c: {  	v8 =	vld [tilespmem:s1+$0x1000]  }
0x29d: {  	v9 =	vld [tilespmem:s4+$0x10]  }
0x29e: {  	v7 =	vld [tilespmem:s4+$0x1010]  }
0x29f: {  	v4 =	vld [tilespmem:s4+$0x20];
	v3 =	vadd.s32 $0x8000, v3;
	v10 =	vadd.s32 $0x8000, v5  }
0x2a0: {  	v5 =	vld [tilespmem:s4+$0x1020];
	v11 =	vshrl.u32 v3, $0x10;
	v10 =	vand.u32 $0xFFFF0000, v10  }
0x2a1: {  	s1 =	simm.s32 $0x10140;
	v6 =	vadd.s32 $0x8000, v6;
	v63 =	vadd.s32 $0x8000, v8;
	v3 =	vld [tilespmem:s4+$0x30];
	v11 =	vor.u32 v11, v10  }
0x2a2: {  	s10 =	simm.s32 $0x0;
	s11 =	simm.s32 $0x0;
	v9 =	vadd.s32 $0x8000, v9;
	v8 =	vshrl.u32 v6, $0x10;
	v6 =	vld [tilespmem:s4+$0x1030];
	v10 =	vand.u32 $0xFFFF0000, v63;
	[tilespmem:s1+$0x30] =	vst v11  }
.LBB2_14:
0x2a3: {  	s10 =	sadd.s32 $0x8, s10;
	v8 =	vor.u32 v8, v10;
	v7 =	vadd.s32 $0x8000, v7;
	v9 =	vshrl.u32 v9, $0x10;
	v10 =	vld [tilespmem:s4+$0x40];
	s0 =	sadd.s32 $0x1000, s0  }
0x2a4: {  	s12 =	sand.u32 $0x3000, s0;
	s13 =	sshll.u32 s10, $0x5;
	p0 =	slt.u32 s10, $0x3F8;
	[tilespmem:s1+$0xFFFFFFC0] =	vst v8;
	v7 =	vand.u32 $0xFFFF0000, v7;
	v4 =	vadd.s32 $0x8000, v4;
	v8 =	vld [tilespmem:s4+$0x1040]  }
0x2a5: {  	s11 =	sadd.s32 $0x400, s11;
	s13 =	sand.u32 $0x6000, s13;
	s12 =	sshrl.u32 s12, $0x2;
	v7 =	vor.u32 v9, v7;
	v5 =	vadd.s32 $0x8000, v5;
	v4 =	vshrl.u32 v4, $0x10;
	v9 =	vld [tilespmem:s4+$0x50]  }
0x2a6: {  	s14 =	sshll.u32 s10, $0x2;
	s15 =	sand.u32 $0xC00, s11;
	s13 =	sor.u32 $0x100, s13;
	[tilespmem:s1+$0xFFFFFFD0] =	vst v7;
	v5 =	vand.u32 $0xFFFF0000, v5;
	v3 =	vadd.s32 $0x8000, v3;
	v7 =	vld [tilespmem:s4+$0x1050]  }
0x2a7: {  	s14 =	sand.u32 $0x380, s14;
	s12 =	sor.u32 s12, s13;
	s13 =	sor.u32 s15, s13;
	v4 =	vor.u32 v4, v5;
	v5 =	vadd.s32 $0x8000, v6;
	v3 =	vshrl.u32 v3, $0x10;
	v6 =	vld [tilespmem:s4+$0x60]  }
0x2a8: {  	s12 =	sadd.s32 s14, s12;
	[tilespmem:s1+$0xFFFFFFE0] =	vst v4;
	v4 =	vand.u32 $0xFFFF0000, v5;
	v5 =	vadd.s32 $0x8000, v10;
	v10 =	vld [tilespmem:s4+$0x1060];
	s4 =	sadd.s32 s14, s13  }
0x2a9: {  	v11 =	vld [tilespmem:s4+$0x70];
	v3 =	vor.u32 v3, v4;
	v4 =	vadd.s32 $0x8000, v8;
	v5 =	vshrl.u32 v5, $0x10  }
0x2aa: {  	v8 =	vld [tilespmem:s4+$0x1070];
	[tilespmem:s1+$0xFFFFFFF0] =	vst v3;
	v3 =	vand.u32 $0xFFFF0000, v4;
	v4 =	vadd.s32 $0x8000, v9  }
0x2ab: {  	v9 =	vld [tilespmem:s12+$0x0];
	v3 =	vor.u32 v5, v3;
	v5 =	vadd.s32 $0x8000, v7;
	v4 =	vshrl.u32 v4, $0x10  }
0x2ac: {  	v12 =	vld [tilespmem:s12+$0x1000];
	[tilespmem:s1+$0x0] =	vst v3;
	v3 =	vand.u32 $0xFFFF0000, v5;
	v5 =	vadd.s32 $0x8000, v6  }
0x2ad: {  	v6 =	vld [tilespmem:s4+$0x10];
	v3 =	vor.u32 v4, v3;
	v4 =	vadd.s32 $0x8000, v10;
	v5 =	vshrl.u32 v5, $0x10  }
.Ltmp6:
0x2ae: {  	v7 =	vld [tilespmem:s4+$0x1010];
	[tilespmem:s1+$0x10] =	vst v3;
	v3 =	vand.u32 $0xFFFF0000, v4;
	(pc) =	sbr.rel @p0 .LBB2_14-.Ltmp6, $4  }
0x2af: {  	v10 =	vadd.s32 $0x8000, v11;
	v4 =	vld [tilespmem:s4+$0x20];
	v8 =	vadd.s32 $0x8000, v8;
	v3 =	vor.u32 v5, v3  }
0x2b0: {  	v10 =	vshrl.u32 v10, $0x10;
	v9 =	vadd.s32 $0x8000, v9;
	v5 =	vld [tilespmem:s4+$0x1020];
	v11 =	vand.u32 $0xFFFF0000, v8;
	[tilespmem:s1+$0x20] =	vst v3  }
0x2b1: {  	s1 =	sadd.s32 $0x80, s1;
	v12 =	vadd.s32 $0x8000, v12;
	v8 =	vshrl.u32 v9, $0x10;
	v3 =	vld [tilespmem:s4+$0x30];
	v11 =	vor.u32 v10, v11  }
0x2b2: {  	v10 =	vand.u32 $0xFFFF0000, v12;
	v9 =	vadd.s32 $0x8000, v6;
	v6 =	vld [tilespmem:s4+$0x1030];
	[tilespmem:s1+$0x30] =	vst v11  }
0x2b3: {  	v11 =	vld [tilespmem:s4+$0x40]  }
0x2b4: {  	v12 =	vld [tilespmem:s4+$0x1040]  }
0x2b5: {  	v8 =	vor.u32 v8, v10;
	v7 =	vadd.s32 $0x8000, v7;
	v10 =	vld [tilespmem:s4+$0x50]  }
0x2b6: {  	v9 =	vshrl.u32 v9, $0x10;
	v13 =	vld [tilespmem:s4+$0x1050];
	v7 =	vand.u32 $0xFFFF0000, v7;
	v4 =	vadd.s32 $0x8000, v4  }
0x2b7: {  	v14 =	vld [tilespmem:s4+$0x1060];
	v7 =	vor.u32 v9, v7;
	v5 =	vadd.s32 $0x8000, v5;
	v4 =	vshrl.u32 v4, $0x10  }
0x2b8: {  	v9 =	vld [tilespmem:s4+$0x60];
	v5 =	vand.u32 $0xFFFF0000, v5;
	v3 =	vadd.s32 $0x8000, v3;
	v6 =	vadd.s32 $0x8000, v6  }
0x2b9: {  	v4 =	vor.u32 v4, v5;
	v3 =	vshrl.u32 v3, $0x10;
	v5 =	vand.u32 $0xFFFF0000, v6  }
0x2ba: {  	[tilespmem:s1+$0xFFFFFFC0] =	vst v8;
	v6 =	vadd.s32 $0x8000, v12;
	v3 =	vor.u32 v3, v5;
	v5 =	vadd.s32 $0x8000, v11  }
0x2bb: {  	[tilespmem:s1+$0xFFFFFFD0] =	vst v7;
	v7 =	vadd.s32 $0x8000, v10;
	v6 =	vand.u32 $0xFFFF0000, v6;
	v5 =	vshrl.u32 v5, $0x10  }
0x2bc: {  	[tilespmem:s1+$0xFFFFFFE0] =	vst v4;
	v4 =	vor.u32 v5, v6;
	v5 =	vadd.s32 $0x8000, v13;
	v6 =	vshrl.u32 v7, $0x10  }
0x2bd: {  	[tilespmem:s1+$0xFFFFFFF0] =	vst v3;
	v7 =	vadd.s32 $0x8000, v14;
	v3 =	vand.u32 $0xFFFF0000, v5;
	v5 =	vadd.s32 $0x8000, v9  }
0x2be: {  	[tilespmem:s1+$0x0] =	vst v4;
	v3 =	vor.u32 v6, v3;
	v4 =	vshrl.u32 v5, $0x10;
	v5 =	vand.u32 $0xFFFF0000, v7  }
0x2bf: {  	[tilespmem:s1+$0x10] =	vst v3;
	v3 =	vor.u32 v4, v5  }
0x2c0: {  	[tilespmem:s1+$0x20] =	vst v3  }
0x2c1: {  	s1 =	simm.s32 $0x0;
	s0 =	rddreg [dreg:$0xb]  }
0x2c2: {  	[hbm4b:s0+s1] =	stream.linear.scatter [tilespmem:s25], [sflag:$0x3], $0x4000, $0x38;
	[tilespmem:$0x18100] =	vst v63  }
0x2c3: {  	_ =	swait.ge [sflag:s26], $0x8000  }
0x2c4: {  	s12 =	simm.s32 $0x0;
	s13 =	simm.s32 $0x0;
	[sflag:s26] =	ssyncset.done $0x0  }
0x2c5: {  	s10 =	sand.u32 $0xC00, s1;
	s0 =	sand.u32 $0x6000, s12;
	[sflag:s26] =	ssyncadd.s32 $0xFFFF8000  }
0x2c6: {  	s11 =	sand.u32 $0x3000, s1;
	s0 =	sor.u32 $0x8100, s0;
	_ =	swait.ge [sflag:s30], $0x4000  }
0x2c7: {  	s12 =	sand.u32 $0x380, s13;
	s14 =	sor.u32 s10, s0;
	[sflag:s30] =	ssyncset.done $0x0  }
0x2c8: {  	s15 =	sshrl.u32 s11, $0x2;
	s4 =	sadd.s32 s12, s14;
	[sflag:s30] =	ssyncadd.s32 $0xFFFFC000  }
0x2c9: {  	s0 =	sor.u32 s15, s0;
	v3 =	vld [tilespmem:s4+$0x70]  }
0x2ca: {  	s0 =	sadd.s32 s12, s0;
	v5 =	vld [tilespmem:s4+$0x1070]  }
0x2cb: {  	v6 =	vld [tilespmem:s0+$0x0]  }
0x2cc: {  	v8 =	vld [tilespmem:s0+$0x1000]  }
0x2cd: {  	v9 =	vld [tilespmem:s4+$0x10]  }
0x2ce: {  	v7 =	vld [tilespmem:s4+$0x1010]  }
0x2cf: {  	v4 =	vld [tilespmem:s4+$0x20];
	v3 =	vadd.s32 $0x8000, v3;
	v10 =	vadd.s32 $0x8000, v5  }
0x2d0: {  	v5 =	vld [tilespmem:s4+$0x1020];
	v11 =	vshrl.u32 v3, $0x10;
	v10 =	vand.u32 $0xFFFF0000, v10  }
0x2d1: {  	s0 =	simm.s32 $0x14140;
	v6 =	vadd.s32 $0x8000, v6;
	v63 =	vadd.s32 $0x8000, v8;
	v3 =	vld [tilespmem:s4+$0x30];
	v11 =	vor.u32 v11, v10  }
0x2d2: {  	s11 =	simm.s32 $0x0;
	s10 =	simm.s32 $0x0;
	v9 =	vadd.s32 $0x8000, v9;
	v8 =	vshrl.u32 v6, $0x10;
	v6 =	vld [tilespmem:s4+$0x1030];
	v10 =	vand.u32 $0xFFFF0000, v63;
	[tilespmem:s0+$0x30] =	vst v11  }
.LBB2_16:
0x2d3: {  	s10 =	sadd.s32 $0x8, s10;
	v8 =	vor.u32 v8, v10;
	v7 =	vadd.s32 $0x8000, v7;
	v9 =	vshrl.u32 v9, $0x10;
	v10 =	vld [tilespmem:s4+$0x40];
	s1 =	sadd.s32 $0x1000, s1  }
0x2d4: {  	s12 =	sand.u32 $0x3000, s1;
	s13 =	sshll.u32 s10, $0x5;
	p0 =	slt.u32 s10, $0x3F8;
	[tilespmem:s0+$0xFFFFFFC0] =	vst v8;
	v7 =	vand.u32 $0xFFFF0000, v7;
	v4 =	vadd.s32 $0x8000, v4;
	v8 =	vld [tilespmem:s4+$0x1040]  }
0x2d5: {  	s11 =	sadd.s32 $0x400, s11;
	s13 =	sand.u32 $0x6000, s13;
	s12 =	sshrl.u32 s12, $0x2;
	v7 =	vor.u32 v9, v7;
	v5 =	vadd.s32 $0x8000, v5;
	v4 =	vshrl.u32 v4, $0x10;
	v9 =	vld [tilespmem:s4+$0x50]  }
0x2d6: {  	s14 =	sshll.u32 s10, $0x2;
	s15 =	sand.u32 $0xC00, s11;
	s13 =	sor.u32 $0x8100, s13;
	[tilespmem:s0+$0xFFFFFFD0] =	vst v7;
	v5 =	vand.u32 $0xFFFF0000, v5;
	v3 =	vadd.s32 $0x8000, v3;
	v7 =	vld [tilespmem:s4+$0x1050]  }
0x2d7: {  	s14 =	sand.u32 $0x380, s14;
	s12 =	sor.u32 s12, s13;
	s13 =	sor.u32 s15, s13;
	v4 =	vor.u32 v4, v5;
	v5 =	vadd.s32 $0x8000, v6;
	v3 =	vshrl.u32 v3, $0x10;
	v6 =	vld [tilespmem:s4+$0x60]  }
0x2d8: {  	s12 =	sadd.s32 s14, s12;
	[tilespmem:s0+$0xFFFFFFE0] =	vst v4;
	v4 =	vand.u32 $0xFFFF0000, v5;
	v5 =	vadd.s32 $0x8000, v10;
	v10 =	vld [tilespmem:s4+$0x1060];
	s4 =	sadd.s32 s14, s13  }
0x2d9: {  	v11 =	vld [tilespmem:s4+$0x70];
	v3 =	vor.u32 v3, v4;
	v4 =	vadd.s32 $0x8000, v8;
	v5 =	vshrl.u32 v5, $0x10  }
0x2da: {  	v8 =	vld [tilespmem:s4+$0x1070];
	[tilespmem:s0+$0xFFFFFFF0] =	vst v3;
	v3 =	vand.u32 $0xFFFF0000, v4;
	v4 =	vadd.s32 $0x8000, v9  }
0x2db: {  	v9 =	vld [tilespmem:s12+$0x0];
	v3 =	vor.u32 v5, v3;
	v5 =	vadd.s32 $0x8000, v7;
	v4 =	vshrl.u32 v4, $0x10  }
0x2dc: {  	v12 =	vld [tilespmem:s12+$0x1000];
	[tilespmem:s0+$0x0] =	vst v3;
	v3 =	vand.u32 $0xFFFF0000, v5;
	v5 =	vadd.s32 $0x8000, v6  }
0x2dd: {  	v6 =	vld [tilespmem:s4+$0x10];
	v3 =	vor.u32 v4, v3;
	v4 =	vadd.s32 $0x8000, v10;
	v5 =	vshrl.u32 v5, $0x10  }
.Ltmp7:
0x2de: {  	v7 =	vld [tilespmem:s4+$0x1010];
	[tilespmem:s0+$0x10] =	vst v3;
	v3 =	vand.u32 $0xFFFF0000, v4;
	(pc) =	sbr.rel @p0 .LBB2_16-.Ltmp7, $4  }
0x2df: {  	v10 =	vadd.s32 $0x8000, v11;
	v4 =	vld [tilespmem:s4+$0x20];
	v8 =	vadd.s32 $0x8000, v8;
	v3 =	vor.u32 v5, v3  }
0x2e0: {  	v10 =	vshrl.u32 v10, $0x10;
	v9 =	vadd.s32 $0x8000, v9;
	v5 =	vld [tilespmem:s4+$0x1020];
	v11 =	vand.u32 $0xFFFF0000, v8;
	[tilespmem:s0+$0x20] =	vst v3  }
0x2e1: {  	s0 =	sadd.s32 $0x80, s0;
	v12 =	vadd.s32 $0x8000, v12;
	v8 =	vshrl.u32 v9, $0x10;
	v3 =	vld [tilespmem:s4+$0x30];
	v11 =	vor.u32 v10, v11  }
0x2e2: {  	v10 =	vand.u32 $0xFFFF0000, v12;
	v9 =	vadd.s32 $0x8000, v6;
	v6 =	vld [tilespmem:s4+$0x1030];
	[tilespmem:s0+$0x30] =	vst v11  }
0x2e3: {  	v11 =	vld [tilespmem:s4+$0x40]  }
0x2e4: {  	v12 =	vld [tilespmem:s4+$0x1040]  }
0x2e5: {  	v51 =	vld [tilespmem:s4+$0x50]  }
0x2e6: {  	v13 =	vld [tilespmem:s4+$0x1050]  }
0x2e7: {  	v8 =	vor.u32 v8, v10;
	v7 =	vadd.s32 $0x8000, v7;
	v52 =	vld [tilespmem:s4+$0x60]  }
0x2e8: {  	v9 =	vshrl.u32 v9, $0x10;
	v14 =	vld [tilespmem:s4+$0x1060];
	v7 =	vand.u32 $0xFFFF0000, v7;
	v4 =	vadd.s32 $0x8000, v4  }
0x2e9: {  	v7 =	vor.u32 v9, v7;
	v5 =	vadd.s32 $0x8000, v5;
	v4 =	vshrl.u32 v4, $0x10  }
0x2ea: {  	v5 =	vand.u32 $0xFFFF0000, v5;
	v3 =	vadd.s32 $0x8000, v3;
	v6 =	vadd.s32 $0x8000, v6  }
0x2eb: {  	v4 =	vor.u32 v4, v5;
	v3 =	vshrl.u32 v3, $0x10;
	v53 =	vand.u32 $0xFFFF0000, v6  }
0x2ec: {  	[tilespmem:s0+$0xFFFFFFC0] =	vst v8;
	v54 =	vadd.s32 $0x8000, v11;
	v55 =	vadd.s32 $0x8000, v12;
	v56 =	vadd.s32 $0x8000, v51  }
0x2ed: {  	[tilespmem:s0+$0xFFFFFFD0] =	vst v7;
	v58 =	vadd.s32 $0x8000, v13;
	v60 =	vadd.s32 $0x8000, v52;
	v61 =	vadd.s32 $0x8000, v14  }
0x2ee: {  	[tilespmem:s0+$0xFFFFFFE0] =	vst v4;
	v3 =	vor.u32 v3, v53;
	v5 =	vshrl.u32 v54, $0x10;
	v6 =	vand.u32 $0xFFFF0000, v55  }
0x2ef: {  	v59 =	vshrl.u32 v56, $0x10;
	v57 =	vor.u32 v5, v6;
	[tilespmem:s0+$0xFFFFFFF0] =	vst v3;
	v3 =	vand.u32 $0xFFFF0000, v58  }
0x2f0: {  	v62 =	vshrl.u32 v60, $0x10;
	v63 =	vand.u32 $0xFFFF0000, v61;
	[tilespmem:s0+$0x0] =	vst v57;
	v3 =	vor.u32 v59, v3  }
0x2f1: {  	[tilespmem:s0+$0x10] =	vst v3;
	v3 =	vor.u32 v62, v63  }
0x2f2: {  	[tilespmem:s0+$0x20] =	vst v3  }
0x2f3: {  	s0 =	rddreg [dreg:$0xc]  }
0x2f4: {  	[hbm4b:s0+s3] =	stream.linear.scatter [tilespmem:s28], [sflag:$0x4], $0x4000, $0x38;
	[tilespmem:$0x18100] =	vst v63  }
0x2f5: {  	_ =	swait.ge [sflag:s29], $0x4000  }
0x2f6: {  	[sflag:s29] =	ssyncset.done $0x0  }
0x2f7: {  	[sflag:s29] =	ssyncadd.s32 $0xFFFFC000  }
0x2f8: {  	_ =	swait.ge [sflag:s30], $0x4000  }
0x2f9: {  	s31 =	sadd.s32 $0x1, s31;
	s15 =	rddreg [dreg:$0xd]  }
0x2fa: {  	p0 =	sne.s32 s31, s15  }
.Ltmp8:
0x2fb: {  	_ = 	snop;
	(pc) =	sbr.rel @p0 .LBB2_1-.Ltmp8, $3  }
0x2fc: {  	_ =	sdelay $0x1  }
0x2fd: {  	[sflag:s30] =	ssyncset.done $0x0  }
0x2fe: {  	[sflag:s30] =	ssyncadd.s32 $0xFFFFC000  }
0x2ff: {  	_ =	sfence.sel $0x180000  }
0x300: {  	[bflag:$0x0] =	sbarrier.arrive $0xFFFF  }
0x301: {  	_ =	strace $0x90000047  }
0x302: {  	s0 =	stileid.u32;
	[bflag:$0x2] =	sbarrier.arrive $0xFFFF  }
0x303: {  	p0 =	sne.s32 s0, $0x0;
	s0 =	rddreg [dreg:$0x3]  }
0x304: {  	s0 =	sadd.s32 @!p0 $0x100000, s0  }
0x305: {  	[sflag:s0] =	ssyncadd.tile.s32 @!p0 $0x1;
	_ =	shalt  }
.Lfunc_end2:
_tile_overlayer_lowered:
.L_overlay_start_2:
0x306: {  	(tag) =	ssettag $0x2  }
0x307: {  	s0 =	rddreg [dreg:$0x0];
	s2 =	stileid.u32  }
0x308: {  	s1 =	rddreg [dreg:$0x1];
	p0 =	sne.s32 s2, $0x0  }
0x309: {  	s3 =	rddreg [dreg:$0x2];
	[bflag:$0x3] =	sbarrier.arrive $0xFFFF;
	s2 =	simm.s32 @!p0 $0x1C05  }
0x30a: {  	[timem:s3], [sflag:s2] =	dma.local @!p0 [hbm:s0], s1  }
0x30b: {  	s0 =	simm.s32 @!p0 $0x5  }
0x30c: {  	_ =	swait.ge @!p0 [sflag:s0], s1  }
0x30d: {  	s1 =	ssub.s32 @!p0 $0x0, s1;
	[sflag:s0] =	ssyncset.done @!p0 $0x0  }
0x30e: {  	[sflag:s0] =	ssyncadd.s32 @!p0 s1  }
0x30f: {  	[bflag:$0x3] =	sbarrier.arrive $0xFFFF  }
0x310: {  	_ =	shalt  }

</sc_bundles>
